<compile_context>
chip_gen: v7x
topology: tpu7x:2x2x1
jax: 0.10.2.dev20260603
libtpu: 0.0.44.dev20260713+nightly
codegen_flags: <defaults>
</compile_context>

<pallas_src>
import functools

import jax
import jax.numpy as jnp
from jax import lax
from jax.experimental import pallas as pl
from jax.experimental.pallas import tpu as pltpu
from jax.experimental.pallas import tpu_sc as plsc

NUM_INPUTS = 4
NUM_EMBEDDINGS = 100000
DIM = 64
LANES = 16
NUM_CORES = 2
NUM_SUBCORES = 16
NW = NUM_CORES * NUM_SUBCORES
PB = 4
AB = 8
LAG = 2
SR = 4
SPLITS = ((0, 128), (128, 72))


@functools.lru_cache(maxsize=None)
def _build(batch: int, seq: int):
    rows_pc = PB * seq
    per_w_b = batch // NW
    per_w = per_w_b * seq
    n_pieces = per_w_b // PB
    pc_blk = AB // PB
    n_blocks = per_w_b // AB
    assert batch % (NW * AB) == 0 and sum(n for _, n in SPLITS) == rows_pc
    mesh = plsc.VectorSubcoreMesh(
        core_axis_name="c", subcore_axis_name="s",
        num_cores=NUM_CORES, num_subcores=NUM_SUBCORES)

    @functools.partial(
        pl.kernel,
        out_type=jax.ShapeDtypeStruct((seq * DIM, batch), jnp.float32),
        mesh=mesh,
        scratch_types=[
            pltpu.VMEM((NUM_INPUTS, per_w), jnp.int32),
            pltpu.VMEM((SR, rows_pc, DIM), jnp.float32),
            pltpu.VMEM((2, seq * DIM, AB), jnp.float32),
            pltpu.SemaphoreType.DMA,
            pltpu.SemaphoreType.DMA((SR,)),
            pltpu.SemaphoreType.DMA((SR,)),
            pltpu.SemaphoreType.DMA((2,)),
        ],
        compiler_params=pltpu.CompilerParams(
            use_tc_tiling_on_sc=False, needs_layout_passes=False),
    )
    def mimo(xf_hbm, tab_hbm, out_hbm, idx_v, stg, acc, isem, g0sem, gasem,
             osem):
        wid = lax.axis_index("s") * NUM_CORES + lax.axis_index("c")
        w_row = wid * per_w
        w_b = wid * per_w_b

        pltpu.async_copy(
            xf_hbm.at[:, pl.ds(w_row, per_w)], idx_v, isem).wait()

        def bias_body(j, _):
            sl = pl.ds(j * LANES, LANES)
            for i in range(1, NUM_INPUTS):
                idx_v[i, sl] = idx_v[i, sl] + (i * NUM_EMBEDDINGS)
            return 0
        lax.fori_loop(0, per_w // LANES, bias_body, 0)

        def gathers(i, p, sb, sem):
            return [
                pltpu.make_async_copy(
                    tab_hbm.at[idx_v.at[i, pl.ds(p * rows_pc + o, n)]],
                    stg.at[sb, pl.ds(o, n)], sem.at[sb])
                for o, n in SPLITS
            ]

        def out_copy(blk):
            return pltpu.make_async_copy(
                acc.at[blk % 2],
                out_hbm.at[:, pl.ds(w_b + blk * AB, AB)],
                osem.at[blk % 2])

        d_idx = [lax.iota(jnp.int32, LANES) + g * LANES
                 for g in range(DIM // LANES)]

        def body(p, _):
            sb = lax.rem(p, SR)

            @pl.when(jnp.logical_and(p >= LAG, p < n_pieces + LAG))
            def _b():
                pb = p - LAG
                sbb = lax.rem(pb, SR)
                for d in gathers(0, pb, sbb, g0sem):
                    d.wait()
                for i in range(1, NUM_INPUTS):
                    for d in gathers(i, pb, sbb, gasem):
                        d.start(add=True)

            @pl.when(jnp.logical_and(p >= 2 * LAG, p < n_pieces + 2 * LAG))
            def _c():
                pc = p - 2 * LAG
                sbc = lax.rem(pc, SR)
                for i in range(1, NUM_INPUTS):
                    for d in gathers(i, pc, sbc, gasem):
                        d.wait()
                blk = pc // pc_blk
                abuf = blk % 2
                b_off = (pc % pc_blk) * PB

                @pl.when(jnp.logical_and(pc % pc_blk == 0,
                                         pc >= 2 * pc_blk))
                def _wait_store():
                    out_copy(blk - 2).wait()

                i_bs = [jnp.full((LANES,), b_off + b_l, jnp.int32)
                        for b_l in range(PB)]

                def scatter_s(s, _):
                    rbase = s * DIM
                    i_rs = [d_idx[g] + rbase for g in range(DIM // LANES)]
                    for b_l in range(PB):
                        row = b_l * seq + s
                        for g in range(DIM // LANES):
                            x = stg[sbc, row, pl.ds(g * LANES, LANES)]
                            plsc.store_scatter(
                                acc.at[abuf], [i_rs[g], i_bs[b_l]], x)
                    return 0
                lax.fori_loop(0, seq, scatter_s, 0)

                @pl.when(pc % pc_blk == pc_blk - 1)
                def _store():
                    out_copy(blk).start()

            @pl.when(p < n_pieces)
            def _a():
                for d in gathers(0, p, sb, g0sem):
                    d.start()
            return 0

        lax.fori_loop(0, n_pieces + 2 * LAG, body, 0)

        for blk in (n_blocks - 2, n_blocks - 1):
            out_copy(blk).wait()

    return mimo


def kernel(x, tables):
    num, vocab, dim = tables.shape
    seq = x.shape[-1]
    batch = x.shape[0] // num
    xf = x.reshape(num, batch * seq)
    tf = tables.reshape(num * vocab, dim)
    out = _build(batch, seq)(xf, tf)
    return out.reshape(seq, dim, batch).transpose(2, 0, 1)

# --- scband reference (transcript-rebuilt; emitter-appended) ---
"""Pipeline reference for scband-mimo-embedding-74990128988459 (READ-ONLY COPY).

The authoritative reference and input builder live on the scoring server;
editing this copy changes nothing except your own understanding.
"""

import jax, jax.numpy as jnp
import numpy as np

NUM_INPUTS = 4
NUM_EMBEDDINGS = 100000
EMBEDDING_DIM = 64
BATCH = 4096
SEQ_LEN = 50


def setup_inputs(seed: int = 0) -> dict:
    key = jax.random.key(seed)
    k1, k2 = jax.random.split(key)
    x = jax.random.randint(k1, (NUM_INPUTS * BATCH, SEQ_LEN), 0, NUM_EMBEDDINGS, dtype=jnp.int32)
    # One embedding table per input stream, init N(0, embedding_dim**-0.5)
    tables = jax.random.normal(k2, (NUM_INPUTS, NUM_EMBEDDINGS, EMBEDDING_DIM), dtype=jnp.float32) * (EMBEDDING_DIM ** -0.5)
    return {"x": x, "tables": tables}


def reference(x, tables):
    # mimo_batchify: (num * batch, len) -> (num, batch, len)
    num = tables.shape[0]
    seq_len = x.shape[-1]
    xr = x.reshape(num, -1, seq_len)
    # sum of per-stream embedding lookups -> (batch, len, dim)
    out = jnp.take(tables[0], xr[0], axis=0)
    for i in range(1, num):
        out = out + jnp.take(tables[i], xr[i], axis=0)
    return out

if __name__ == "__main__":
    import jax
    _d = setup_inputs()
    print(jax.jit(kernel)(*tuple(_d.values())))

</pallas_src>

<mosaic_0001>
#map = affine_map<(d0, d1) -> (0, 0)>
module attributes {stable_mosaic.version = 14 : i64} {
  func.func @mimo(%arg0: i32, %arg1: i32, %arg2: memref<4x204800xi32, #tpu.memory_space<hbm>>, %arg3: memref<400000x64xf32, #tpu.memory_space<hbm>>, %arg4: memref<3200x4096xf32, #tpu.memory_space<hbm>>, %arg5: memref<4x6400xi32, #tpu.memory_space<vmem>>, %arg6: memref<4x200x64xf32, #tpu.memory_space<vmem>>, %arg7: memref<2x3200x8xf32, #tpu.memory_space<vmem>>, %arg8: memref<!tpu.dma_semaphore, #tpu.memory_space<semaphore_mem>>, %arg9: memref<4x!tpu.dma_semaphore, #tpu.memory_space<semaphore_mem>>, %arg10: memref<4x!tpu.dma_semaphore, #tpu.memory_space<semaphore_mem>>, %arg11: memref<2x!tpu.dma_semaphore, #tpu.memory_space<semaphore_mem>>) attributes {dimension_semantics = [#tpu.dimension_semantics<core_parallel>, #tpu.dimension_semantics<subcore_parallel>], iteration_bounds = array<i64: 2, 16>, scalar_prefetch = 0 : i64, scratch_operands = 7 : i64, tpu.core_type = #tpu.core_type<sc_vector_subcore>, window_params = [{transform_indices = #map}, {transform_indices = #map}, {transform_indices = #map}]} {
    %mul3A = arith.constant 2 : i32
    %mul3A_0 = arith.muli %arg1, %mul3A : i32
    %add3A = arith.addi %mul3A_0, %arg0 : i32
    %mul3A_1 = arith.constant 6400 : i32
    %mul3A_2 = arith.muli %add3A, %mul3A_1 : i32
    %mul3A_3 = arith.constant 128 : i32
    %mul3A_4 = arith.muli %add3A, %mul3A_3 : i32
    %dma_start3A = arith.constant 0 : i32
    %dma_start3A_5 = tpu.memref_slice %arg2[%dma_start3A, %mul3A_2] : memref<4x204800xi32, #tpu.memory_space<hbm>> -> memref<4x6400xi32, #tpu.memory_space<hbm>>
    %dma_start3A_6 = arith.constant 0 : i32
    %dma_start3A_7 = tpu.memref_slice %arg2[%dma_start3A_6, %mul3A_2] : memref<4x204800xi32, #tpu.memory_space<hbm>> -> memref<4x6400xi32, #tpu.memory_space<hbm>>
    tpu.enqueue_dma source(%dma_start3A_7 : memref<4x6400xi32, #tpu.memory_space<hbm>>) target(%arg5 : memref<4x6400xi32, #tpu.memory_space<vmem>>) target_semaphore(%arg8 : memref<!tpu.dma_semaphore, #tpu.memory_space<semaphore_mem>>)
    %dma_wait3A = arith.constant 0 : i32
    %dma_wait3A_8 = tpu.memref_slice %arg2[%dma_wait3A, %mul3A_2] : memref<4x204800xi32, #tpu.memory_space<hbm>> -> memref<4x6400xi32, #tpu.memory_space<hbm>>
    %dma_wait3A_9 = arith.constant 0 : i32
    %dma_wait3A_10 = tpu.memref_slice %arg2[%dma_wait3A_9, %mul3A_2] : memref<4x204800xi32, #tpu.memory_space<hbm>> -> memref<4x6400xi32, #tpu.memory_space<hbm>>
    tpu.wait_dma2 semaphore(%arg8 : memref<!tpu.dma_semaphore, #tpu.memory_space<semaphore_mem>>) src(%dma_wait3A_10 : memref<4x6400xi32, #tpu.memory_space<hbm>>) dst(%arg5 : memref<4x6400xi32, #tpu.memory_space<vmem>>)
    %scan3A = arith.constant 0 : i32
    %scan3A_11 = arith.constant 0 : i32
    %scan3A_12 = arith.constant 400 : i32
    %scan3A_13 = arith.addi %scan3A_11, %scan3A_12 : i32
    %scan3A_14 = arith.constant 1 : i32
    %scan3A_15 = scf.for %scan3A_75 = %scan3A_11 to %scan3A_13 step %scan3A_14 iter_args(%scan3A_76 = %scan3A) -> (i32)  : i32 {
      %mul3A_77 = arith.constant 16 : i32
      %mul3A_78 = arith.muli %scan3A_75, %mul3A_77 : i32
      %get3A = arith.constant 1 : i32
      %get3A_79 = arith.index_cast %get3A : i32 to index
      %get3A_80 = arith.index_cast %mul3A_78 : i32 to index
      %get3A_81 = tpu.vector_load %arg5[%get3A_79, %get3A_80] {strides = array<i32>} : memref<4x6400xi32, #tpu.memory_space<vmem>>, vector<16xi32>,
      %add3A_82 = arith.constant 100000 : i32
      %add3A_83 = vector.broadcast %add3A_82 : i32 to vector<16xi32>
      %add3A_84 = arith.addi %get3A_81, %add3A_83 : vector<16xi32>
      %swap3A = arith.constant 1 : i32
      %swap3A_85 = arith.index_cast %swap3A : i32 to index
      %swap3A_86 = arith.index_cast %mul3A_78 : i32 to index
      %swap3A_87 = tpu.vector_load %arg5[%swap3A_85, %swap3A_86] {strides = array<i32>} : memref<4x6400xi32, #tpu.memory_space<vmem>>, vector<16xi32>,
      tpu.vector_store %arg5[%swap3A_85, %swap3A_86], %add3A_84 {strides = array<i32>} : memref<4x6400xi32, #tpu.memory_space<vmem>>, vector<16xi32>,
      %get3A_88 = arith.constant 2 : i32
      %get3A_89 = arith.index_cast %get3A_88 : i32 to index
      %get3A_90 = arith.index_cast %mul3A_78 : i32 to index
      %get3A_91 = tpu.vector_load %arg5[%get3A_89, %get3A_90] {strides = array<i32>} : memref<4x6400xi32, #tpu.memory_space<vmem>>, vector<16xi32>,
      %add3A_92 = arith.constant 200000 : i32
      %add3A_93 = vector.broadcast %add3A_92 : i32 to vector<16xi32>
      %add3A_94 = arith.addi %get3A_91, %add3A_93 : vector<16xi32>
      %swap3A_95 = arith.constant 2 : i32
      %swap3A_96 = arith.index_cast %swap3A_95 : i32 to index
      %swap3A_97 = arith.index_cast %mul3A_78 : i32 to index
      %swap3A_98 = tpu.vector_load %arg5[%swap3A_96, %swap3A_97] {strides = array<i32>} : memref<4x6400xi32, #tpu.memory_space<vmem>>, vector<16xi32>,
      tpu.vector_store %arg5[%swap3A_96, %swap3A_97], %add3A_94 {strides = array<i32>} : memref<4x6400xi32, #tpu.memory_space<vmem>>, vector<16xi32>,
      %get3A_99 = arith.constant 3 : i32
      %get3A_100 = arith.index_cast %get3A_99 : i32 to index
      %get3A_101 = arith.index_cast %mul3A_78 : i32 to index
      %get3A_102 = tpu.vector_load %arg5[%get3A_100, %get3A_101] {strides = array<i32>} : memref<4x6400xi32, #tpu.memory_space<vmem>>, vector<16xi32>,
      %add3A_103 = arith.constant 300000 : i32
      %add3A_104 = vector.broadcast %add3A_103 : i32 to vector<16xi32>
      %add3A_105 = arith.addi %get3A_102, %add3A_104 : vector<16xi32>
      %swap3A_106 = arith.constant 3 : i32
      %swap3A_107 = arith.index_cast %swap3A_106 : i32 to index
      %swap3A_108 = arith.index_cast %mul3A_78 : i32 to index
      %swap3A_109 = tpu.vector_load %arg5[%swap3A_107, %swap3A_108] {strides = array<i32>} : memref<4x6400xi32, #tpu.memory_space<vmem>>, vector<16xi32>,
      tpu.vector_store %arg5[%swap3A_107, %swap3A_108], %add3A_105 {strides = array<i32>} : memref<4x6400xi32, #tpu.memory_space<vmem>>, vector<16xi32>,
      %scan3A_110 = arith.constant 0 : i32
      scf.yield %scan3A_110 : i32
    }
    %scan3A_16 = arith.constant 400 : i32
    %iota3A = tpu.iota {dimensions = array<i32: 0>} : vector<16xi32>
    %add3A_17 = arith.constant 0 : i32
    %add3A_18 = vector.broadcast %add3A_17 : i32 to vector<16xi32>
    %add3A_19 = arith.addi %iota3A, %add3A_18 : vector<16xi32>
    %iota3A_20 = tpu.iota {dimensions = array<i32: 0>} : vector<16xi32>
    %add3A_21 = arith.constant 16 : i32
    %add3A_22 = vector.broadcast %add3A_21 : i32 to vector<16xi32>
    %add3A_23 = arith.addi %iota3A_20, %add3A_22 : vector<16xi32>
    %iota3A_24 = tpu.iota {dimensions = array<i32: 0>} : vector<16xi32>
    %add3A_25 = arith.constant 32 : i32
    %add3A_26 = vector.broadcast %add3A_25 : i32 to vector<16xi32>
    %add3A_27 = arith.addi %iota3A_24, %add3A_26 : vector<16xi32>
    %iota3A_28 = tpu.iota {dimensions = array<i32: 0>} : vector<16xi32>
    %add3A_29 = arith.constant 48 : i32
    %add3A_30 = vector.broadcast %add3A_29 : i32 to vector<16xi32>
    %add3A_31 = arith.addi %iota3A_28, %add3A_30 : vector<16xi32>
    %scan3A_32 = arith.constant 0 : i32
    %scan3A_33 = arith.constant 0 : i32
    %scan3A_34 = arith.constant 36 : i32
    %scan3A_35 = arith.addi %scan3A_33, %scan3A_34 : i32
    %scan3A_36 = arith.constant 1 : i32
    %scan3A_37 = scf.for %scan3A_75 = %scan3A_33 to %scan3A_35 step %scan3A_36 iter_args(%scan3A_76 = %scan3A_32) -> (i32)  : i32 {
      %rem3A = arith.constant 4 : i32
      %rem3A_77 = arith.remsi %scan3A_75, %rem3A : i32
      %ge3A = arith.constant 2 : i32
      %ge3A_78 = arith.cmpi sge, %scan3A_75, %ge3A : i32
      %lt3A = arith.constant 34 : i32
      %lt3A_79 = arith.cmpi slt, %scan3A_75, %lt3A : i32
      %and3A = arith.andi %ge3A_78, %lt3A_79 : i1
      %convert_element_type3A = arith.extui %and3A : i1 to i32
      %cond3A = arith.constant 0 : i32
      %cond3A_80 = arith.cmpi ne, %convert_element_type3A, %cond3A : i32
      scf.if %cond3A_80 {
        %sub3A = arith.constant 2 : i32
        %sub3A_95 = arith.subi %scan3A_75, %sub3A : i32
        %rem3A_96 = arith.constant 4 : i32
        %rem3A_97 = arith.remsi %sub3A_95, %rem3A_96 : i32
        %mul3A_98 = arith.constant 200 : i32
        %mul3A_99 = arith.muli %sub3A_95, %mul3A_98 : i32
        %add3A_100 = arith.constant 0 : i32
        %add3A_101 = arith.addi %mul3A_99, %add3A_100 : i32
        %mul3A_102 = arith.constant 200 : i32
        %mul3A_103 = arith.muli %sub3A_95, %mul3A_102 : i32
        %add3A_104 = arith.constant 128 : i32
        %add3A_105 = arith.addi %mul3A_103, %add3A_104 : i32
        %dma_wait3A_106 = arith.constant 0 : i32
        %dma_wait3A_107 = arith.constant 0 : i32
        %dma_wait3A_108 = arith.constant 0 : i32
        %dma_wait3A_109 = tpu.memref_slice %arg6[%rem3A_97, %dma_wait3A_107, %dma_wait3A_108] : memref<4x200x64xf32, #tpu.memory_space<vmem>> -> memref<1x128x64xf32, #tpu.memory_space<vmem>>
        %dma_wait3A_110 = tpu.memref_squeeze %dma_wait3A_109 : memref<1x128x64xf32, #tpu.memory_space<vmem>> -> memref<128x64xf32, #tpu.memory_space<vmem>>
        %dma_wait3A_111 = tpu.memref_slice %arg5[%dma_wait3A_106, %add3A_101] : memref<4x6400xi32, #tpu.memory_space<vmem>> -> memref<1x128xi32, #tpu.memory_space<vmem>>
        %dma_wait3A_112 = tpu.memref_squeeze %dma_wait3A_111 : memref<1x128xi32, #tpu.memory_space<vmem>> -> memref<128xi32, #tpu.memory_space<vmem>>
        %dma_wait3A_113 = arith.constant 0 : i32
        %dma_wait3A_114 = arith.constant 0 : i32
        %dma_wait3A_115 = tpu.memref_slice %arg3[%dma_wait3A_113, %dma_wait3A_114] : memref<400000x64xf32, #tpu.memory_space<hbm>> -> memref<400000x64xf32, #tpu.memory_space<hbm>>
        %dma_wait3A_116 = tpu.memref_slice %arg9[%rem3A_97] : memref<4x!tpu.dma_semaphore, #tpu.memory_space<semaphore_mem>> -> memref<1x!tpu.dma_semaphore, #tpu.memory_space<semaphore_mem>>
        %dma_wait3A_117 = tpu.memref_squeeze %dma_wait3A_116 : memref<1x!tpu.dma_semaphore, #tpu.memory_space<semaphore_mem>> -> memref<!tpu.dma_semaphore, #tpu.memory_space<semaphore_mem>>
        tpu.wait_indirect_dma semaphore(%dma_wait3A_117 : memref<!tpu.dma_semaphore, #tpu.memory_space<semaphore_mem>>) src(%dma_wait3A_115 : memref<400000x64xf32, #tpu.memory_space<hbm>>) dst(%dma_wait3A_110 : memref<128x64xf32, #tpu.memory_space<vmem>>)
        %dma_wait3A_118 = arith.constant 0 : i32
        %dma_wait3A_119 = arith.constant 128 : i32
        %dma_wait3A_120 = arith.constant 0 : i32
        %dma_wait3A_121 = tpu.memref_slice %arg6[%rem3A_97, %dma_wait3A_119, %dma_wait3A_120] : memref<4x200x64xf32, #tpu.memory_space<vmem>> -> memref<1x72x64xf32, #tpu.memory_space<vmem>>
        %dma_wait3A_122 = tpu.memref_squeeze %dma_wait3A_121 : memref<1x72x64xf32, #tpu.memory_space<vmem>> -> memref<72x64xf32, #tpu.memory_space<vmem>>
        %dma_wait3A_123 = tpu.memref_slice %arg5[%dma_wait3A_118, %add3A_105] : memref<4x6400xi32, #tpu.memory_space<vmem>> -> memref<1x72xi32, #tpu.memory_space<vmem>>
        %dma_wait3A_124 = tpu.memref_squeeze %dma_wait3A_123 : memref<1x72xi32, #tpu.memory_space<vmem>> -> memref<72xi32, #tpu.memory_space<vmem>>
        %dma_wait3A_125 = arith.constant 0 : i32
        %dma_wait3A_126 = arith.constant 0 : i32
        %dma_wait3A_127 = tpu.memref_slice %arg3[%dma_wait3A_125, %dma_wait3A_126] : memref<400000x64xf32, #tpu.memory_space<hbm>> -> memref<400000x64xf32, #tpu.memory_space<hbm>>
        %dma_wait3A_128 = tpu.memref_slice %arg9[%rem3A_97] : memref<4x!tpu.dma_semaphore, #tpu.memory_space<semaphore_mem>> -> memref<1x!tpu.dma_semaphore, #tpu.memory_space<semaphore_mem>>
        %dma_wait3A_129 = tpu.memref_squeeze %dma_wait3A_128 : memref<1x!tpu.dma_semaphore, #tpu.memory_space<semaphore_mem>> -> memref<!tpu.dma_semaphore, #tpu.memory_space<semaphore_mem>>
        tpu.wait_indirect_dma semaphore(%dma_wait3A_129 : memref<!tpu.dma_semaphore, #tpu.memory_space<semaphore_mem>>) src(%dma_wait3A_127 : memref<400000x64xf32, #tpu.memory_space<hbm>>) dst(%dma_wait3A_122 : memref<72x64xf32, #tpu.memory_space<vmem>>)
        %mul3A_130 = arith.constant 200 : i32
        %mul3A_131 = arith.muli %sub3A_95, %mul3A_130 : i32
        %add3A_132 = arith.constant 0 : i32
        %add3A_133 = arith.addi %mul3A_131, %add3A_132 : i32
        %mul3A_134 = arith.constant 200 : i32
        %mul3A_135 = arith.muli %sub3A_95, %mul3A_134 : i32
        %add3A_136 = arith.constant 128 : i32
        %add3A_137 = arith.addi %mul3A_135, %add3A_136 : i32
        %dma_start3A_138 = arith.constant 1 : i32
        %dma_start3A_139 = arith.constant 0 : i32
        %dma_start3A_140 = arith.constant 0 : i32
        %dma_start3A_141 = tpu.memref_slice %arg6[%rem3A_97, %dma_start3A_139, %dma_start3A_140] : memref<4x200x64xf32, #tpu.memory_space<vmem>> -> memref<1x128x64xf32, #tpu.memory_space<vmem>>
        %dma_start3A_142 = tpu.memref_squeeze %dma_start3A_141 : memref<1x128x64xf32, #tpu.memory_space<vmem>> -> memref<128x64xf32, #tpu.memory_space<vmem>>
        %dma_start3A_143 = tpu.memref_slice %arg5[%dma_start3A_138, %add3A_133] : memref<4x6400xi32, #tpu.memory_space<vmem>> -> memref<1x128xi32, #tpu.memory_space<vmem>>
        %dma_start3A_144 = tpu.memref_squeeze %dma_start3A_143 : memref<1x128xi32, #tpu.memory_space<vmem>> -> memref<128xi32, #tpu.memory_space<vmem>>
        %dma_start3A_145 = arith.constant 0 : i32
        %dma_start3A_146 = arith.constant 0 : i32
        %dma_start3A_147 = tpu.memref_slice %arg3[%dma_start3A_145, %dma_start3A_146] : memref<400000x64xf32, #tpu.memory_space<hbm>> -> memref<400000x64xf32, #tpu.memory_space<hbm>>
        %dma_start3A_148 = tpu.memref_slice %arg10[%rem3A_97] : memref<4x!tpu.dma_semaphore, #tpu.memory_space<semaphore_mem>> -> memref<1x!tpu.dma_semaphore, #tpu.memory_space<semaphore_mem>>
        %dma_start3A_149 = tpu.memref_squeeze %dma_start3A_148 : memref<1x!tpu.dma_semaphore, #tpu.memory_space<semaphore_mem>> -> memref<!tpu.dma_semaphore, #tpu.memory_space<semaphore_mem>>
        tpu.enqueue_indirect_dma source(%dma_start3A_147 : memref<400000x64xf32, #tpu.memory_space<hbm>>) target(%dma_start3A_142 : memref<128x64xf32, #tpu.memory_space<vmem>>) offsets(%dma_start3A_144 : memref<128xi32, #tpu.memory_space<vmem>>) semaphore(%dma_start3A_149 : memref<!tpu.dma_semaphore, #tpu.memory_space<semaphore_mem>>) {add = true}
        %dma_start3A_150 = arith.constant 1 : i32
        %dma_start3A_151 = arith.constant 128 : i32
        %dma_start3A_152 = arith.constant 0 : i32
        %dma_start3A_153 = tpu.memref_slice %arg6[%rem3A_97, %dma_start3A_151, %dma_start3A_152] : memref<4x200x64xf32, #tpu.memory_space<vmem>> -> memref<1x72x64xf32, #tpu.memory_space<vmem>>
        %dma_start3A_154 = tpu.memref_squeeze %dma_start3A_153 : memref<1x72x64xf32, #tpu.memory_space<vmem>> -> memref<72x64xf32, #tpu.memory_space<vmem>>
        %dma_start3A_155 = tpu.memref_slice %arg5[%dma_start3A_150, %add3A_137] : memref<4x6400xi32, #tpu.memory_space<vmem>> -> memref<1x72xi32, #tpu.memory_space<vmem>>
        %dma_start3A_156 = tpu.memref_squeeze %dma_start3A_155 : memref<1x72xi32, #tpu.memory_space<vmem>> -> memref<72xi32, #tpu.memory_space<vmem>>
        %dma_start3A_157 = arith.constant 0 : i32
        %dma_start3A_158 = arith.constant 0 : i32
        %dma_start3A_159 = tpu.memref_slice %arg3[%dma_start3A_157, %dma_start3A_158] : memref<400000x64xf32, #tpu.memory_space<hbm>> -> memref<400000x64xf32, #tpu.memory_space<hbm>>
        %dma_start3A_160 = tpu.memref_slice %arg10[%rem3A_97] : memref<4x!tpu.dma_semaphore, #tpu.memory_space<semaphore_mem>> -> memref<1x!tpu.dma_semaphore, #tpu.memory_space<semaphore_mem>>
        %dma_start3A_161 = tpu.memref_squeeze %dma_start3A_160 : memref<1x!tpu.dma_semaphore, #tpu.memory_space<semaphore_mem>> -> memref<!tpu.dma_semaphore, #tpu.memory_space<semaphore_mem>>
        tpu.enqueue_indirect_dma source(%dma_start3A_159 : memref<400000x64xf32, #tpu.memory_space<hbm>>) target(%dma_start3A_154 : memref<72x64xf32, #tpu.memory_space<vmem>>) offsets(%dma_start3A_156 : memref<72xi32, #tpu.memory_space<vmem>>) semaphore(%dma_start3A_161 : memref<!tpu.dma_semaphore, #tpu.memory_space<semaphore_mem>>) {add = true}
        %mul3A_162 = arith.constant 200 : i32
        %mul3A_163 = arith.muli %sub3A_95, %mul3A_162 : i32
        %add3A_164 = arith.constant 0 : i32
        %add3A_165 = arith.addi %mul3A_163, %add3A_164 : i32
        %mul3A_166 = arith.constant 200 : i32
        %mul3A_167 = arith.muli %sub3A_95, %mul3A_166 : i32
        %add3A_168 = arith.constant 128 : i32
        %add3A_169 = arith.addi %mul3A_167, %add3A_168 : i32
        %dma_start3A_170 = arith.constant 2 : i32
        %dma_start3A_171 = arith.constant 0 : i32
        %dma_start3A_172 = arith.constant 0 : i32
        %dma_start3A_173 = tpu.memref_slice %arg6[%rem3A_97, %dma_start3A_171, %dma_start3A_172] : memref<4x200x64xf32, #tpu.memory_space<vmem>> -> memref<1x128x64xf32, #tpu.memory_space<vmem>>
        %dma_start3A_174 = tpu.memref_squeeze %dma_start3A_173 : memref<1x128x64xf32, #tpu.memory_space<vmem>> -> memref<128x64xf32, #tpu.memory_space<vmem>>
        %dma_start3A_175 = tpu.memref_slice %arg5[%dma_start3A_170, %add3A_165] : memref<4x6400xi32, #tpu.memory_space<vmem>> -> memref<1x128xi32, #tpu.memory_space<vmem>>
        %dma_start3A_176 = tpu.memref_squeeze %dma_start3A_175 : memref<1x128xi32, #tpu.memory_space<vmem>> -> memref<128xi32, #tpu.memory_space<vmem>>
        %dma_start3A_177 = arith.constant 0 : i32
        %dma_start3A_178 = arith.constant 0 : i32
        %dma_start3A_179 = tpu.memref_slice %arg3[%dma_start3A_177, %dma_start3A_178] : memref<400000x64xf32, #tpu.memory_space<hbm>> -> memref<400000x64xf32, #tpu.memory_space<hbm>>
        %dma_start3A_180 = tpu.memref_slice %arg10[%rem3A_97] : memref<4x!tpu.dma_semaphore, #tpu.memory_space<semaphore_mem>> -> memref<1x!tpu.dma_semaphore, #tpu.memory_space<semaphore_mem>>
        %dma_start3A_181 = tpu.memref_squeeze %dma_start3A_180 : memref<1x!tpu.dma_semaphore, #tpu.memory_space<semaphore_mem>> -> memref<!tpu.dma_semaphore, #tpu.memory_space<semaphore_mem>>
        tpu.enqueue_indirect_dma source(%dma_start3A_179 : memref<400000x64xf32, #tpu.memory_space<hbm>>) target(%dma_start3A_174 : memref<128x64xf32, #tpu.memory_space<vmem>>) offsets(%dma_start3A_176 : memref<128xi32, #tpu.memory_space<vmem>>) semaphore(%dma_start3A_181 : memref<!tpu.dma_semaphore, #tpu.memory_space<semaphore_mem>>) {add = true}
        %dma_start3A_182 = arith.constant 2 : i32
        %dma_start3A_183 = arith.constant 128 : i32
        %dma_start3A_184 = arith.constant 0 : i32
        %dma_start3A_185 = tpu.memref_slice %arg6[%rem3A_97, %dma_start3A_183, %dma_start3A_184] : memref<4x200x64xf32, #tpu.memory_space<vmem>> -> memref<1x72x64xf32, #tpu.memory_space<vmem>>
        %dma_start3A_186 = tpu.memref_squeeze %dma_start3A_185 : memref<1x72x64xf32, #tpu.memory_space<vmem>> -> memref<72x64xf32, #tpu.memory_space<vmem>>
        %dma_start3A_187 = tpu.memref_slice %arg5[%dma_start3A_182, %add3A_169] : memref<4x6400xi32, #tpu.memory_space<vmem>> -> memref<1x72xi32, #tpu.memory_space<vmem>>
        %dma_start3A_188 = tpu.memref_squeeze %dma_start3A_187 : memref<1x72xi32, #tpu.memory_space<vmem>> -> memref<72xi32, #tpu.memory_space<vmem>>
        %dma_start3A_189 = arith.constant 0 : i32
        %dma_start3A_190 = arith.constant 0 : i32
        %dma_start3A_191 = tpu.memref_slice %arg3[%dma_start3A_189, %dma_start3A_190] : memref<400000x64xf32, #tpu.memory_space<hbm>> -> memref<400000x64xf32, #tpu.memory_space<hbm>>
        %dma_start3A_192 = tpu.memref_slice %arg10[%rem3A_97] : memref<4x!tpu.dma_semaphore, #tpu.memory_space<semaphore_mem>> -> memref<1x!tpu.dma_semaphore, #tpu.memory_space<semaphore_mem>>
        %dma_start3A_193 = tpu.memref_squeeze %dma_start3A_192 : memref<1x!tpu.dma_semaphore, #tpu.memory_space<semaphore_mem>> -> memref<!tpu.dma_semaphore, #tpu.memory_space<semaphore_mem>>
        tpu.enqueue_indirect_dma source(%dma_start3A_191 : memref<400000x64xf32, #tpu.memory_space<hbm>>) target(%dma_start3A_186 : memref<72x64xf32, #tpu.memory_space<vmem>>) offsets(%dma_start3A_188 : memref<72xi32, #tpu.memory_space<vmem>>) semaphore(%dma_start3A_193 : memref<!tpu.dma_semaphore, #tpu.memory_space<semaphore_mem>>) {add = true}
        %mul3A_194 = arith.constant 200 : i32
        %mul3A_195 = arith.muli %sub3A_95, %mul3A_194 : i32
        %add3A_196 = arith.constant 0 : i32
        %add3A_197 = arith.addi %mul3A_195, %add3A_196 : i32
        %mul3A_198 = arith.constant 200 : i32
        %mul3A_199 = arith.muli %sub3A_95, %mul3A_198 : i32
        %add3A_200 = arith.constant 128 : i32
        %add3A_201 = arith.addi %mul3A_199, %add3A_200 : i32
        %dma_start3A_202 = arith.constant 3 : i32
        %dma_start3A_203 = arith.constant 0 : i32
        %dma_start3A_204 = arith.constant 0 : i32
        %dma_start3A_205 = tpu.memref_slice %arg6[%rem3A_97, %dma_start3A_203, %dma_start3A_204] : memref<4x200x64xf32, #tpu.memory_space<vmem>> -> memref<1x128x64xf32, #tpu.memory_space<vmem>>
        %dma_start3A_206 = tpu.memref_squeeze %dma_start3A_205 : memref<1x128x64xf32, #tpu.memory_space<vmem>> -> memref<128x64xf32, #tpu.memory_space<vmem>>
        %dma_start3A_207 = tpu.memref_slice %arg5[%dma_start3A_202, %add3A_197] : memref<4x6400xi32, #tpu.memory_space<vmem>> -> memref<1x128xi32, #tpu.memory_space<vmem>>
        %dma_start3A_208 = tpu.memref_squeeze %dma_start3A_207 : memref<1x128xi32, #tpu.memory_space<vmem>> -> memref<128xi32, #tpu.memory_space<vmem>>
        %dma_start3A_209 = arith.constant 0 : i32
        %dma_start3A_210 = arith.constant 0 : i32
        %dma_start3A_211 = tpu.memref_slice %arg3[%dma_start3A_209, %dma_start3A_210] : memref<400000x64xf32, #tpu.memory_space<hbm>> -> memref<400000x64xf32, #tpu.memory_space<hbm>>
        %dma_start3A_212 = tpu.memref_slice %arg10[%rem3A_97] : memref<4x!tpu.dma_semaphore, #tpu.memory_space<semaphore_mem>> -> memref<1x!tpu.dma_semaphore, #tpu.memory_space<semaphore_mem>>
        %dma_start3A_213 = tpu.memref_squeeze %dma_start3A_212 : memref<1x!tpu.dma_semaphore, #tpu.memory_space<semaphore_mem>> -> memref<!tpu.dma_semaphore, #tpu.memory_space<semaphore_mem>>
        tpu.enqueue_indirect_dma source(%dma_start3A_211 : memref<400000x64xf32, #tpu.memory_space<hbm>>) target(%dma_start3A_206 : memref<128x64xf32, #tpu.memory_space<vmem>>) offsets(%dma_start3A_208 : memref<128xi32, #tpu.memory_space<vmem>>) semaphore(%dma_start3A_213 : memref<!tpu.dma_semaphore, #tpu.memory_space<semaphore_mem>>) {add = true}
        %dma_start3A_214 = arith.constant 3 : i32
        %dma_start3A_215 = arith.constant 128 : i32
        %dma_start3A_216 = arith.constant 0 : i32
        %dma_start3A_217 = tpu.memref_slice %arg6[%rem3A_97, %dma_start3A_215, %dma_start3A_216] : memref<4x200x64xf32, #tpu.memory_space<vmem>> -> memref<1x72x64xf32, #tpu.memory_space<vmem>>
        %dma_start3A_218 = tpu.memref_squeeze %dma_start3A_217 : memref<1x72x64xf32, #tpu.memory_space<vmem>> -> memref<72x64xf32, #tpu.memory_space<vmem>>
        %dma_start3A_219 = tpu.memref_slice %arg5[%dma_start3A_214, %add3A_201] : memref<4x6400xi32, #tpu.memory_space<vmem>> -> memref<1x72xi32, #tpu.memory_space<vmem>>
        %dma_start3A_220 = tpu.memref_squeeze %dma_start3A_219 : memref<1x72xi32, #tpu.memory_space<vmem>> -> memref<72xi32, #tpu.memory_space<vmem>>
        %dma_start3A_221 = arith.constant 0 : i32
        %dma_start3A_222 = arith.constant 0 : i32
        %dma_start3A_223 = tpu.memref_slice %arg3[%dma_start3A_221, %dma_start3A_222] : memref<400000x64xf32, #tpu.memory_space<hbm>> -> memref<400000x64xf32, #tpu.memory_space<hbm>>
        %dma_start3A_224 = tpu.memref_slice %arg10[%rem3A_97] : memref<4x!tpu.dma_semaphore, #tpu.memory_space<semaphore_mem>> -> memref<1x!tpu.dma_semaphore, #tpu.memory_space<semaphore_mem>>
        %dma_start3A_225 = tpu.memref_squeeze %dma_start3A_224 : memref<1x!tpu.dma_semaphore, #tpu.memory_space<semaphore_mem>> -> memref<!tpu.dma_semaphore, #tpu.memory_space<semaphore_mem>>
        tpu.enqueue_indirect_dma source(%dma_start3A_223 : memref<400000x64xf32, #tpu.memory_space<hbm>>) target(%dma_start3A_218 : memref<72x64xf32, #tpu.memory_space<vmem>>) offsets(%dma_start3A_220 : memref<72xi32, #tpu.memory_space<vmem>>) semaphore(%dma_start3A_225 : memref<!tpu.dma_semaphore, #tpu.memory_space<semaphore_mem>>) {add = true}
      } else {
      }
      %ge3A_81 = arith.constant 4 : i32
      %ge3A_82 = arith.cmpi sge, %scan3A_75, %ge3A_81 : i32
      %lt3A_83 = arith.constant 36 : i32
      %lt3A_84 = arith.cmpi slt, %scan3A_75, %lt3A_83 : i32
      %and3A_85 = arith.andi %ge3A_82, %lt3A_84 : i1
      %convert_element_type3A_86 = arith.extui %and3A_85 : i1 to i32
      %cond3A_87 = arith.constant 0 : i32
      %cond3A_88 = arith.cmpi ne, %convert_element_type3A_86, %cond3A_87 : i32
      scf.if %cond3A_88 {
        %sub3A = arith.constant 4 : i32
        %sub3A_95 = arith.subi %scan3A_75, %sub3A : i32
        %rem3A_96 = arith.constant 4 : i32
        %rem3A_97 = arith.remsi %sub3A_95, %rem3A_96 : i32
        %mul3A_98 = arith.constant 200 : i32
        %mul3A_99 = arith.muli %sub3A_95, %mul3A_98 : i32
        %add3A_100 = arith.constant 0 : i32
        %add3A_101 = arith.addi %mul3A_99, %add3A_100 : i32
        %mul3A_102 = arith.constant 200 : i32
        %mul3A_103 = arith.muli %sub3A_95, %mul3A_102 : i32
        %add3A_104 = arith.constant 128 : i32
        %add3A_105 = arith.addi %mul3A_103, %add3A_104 : i32
        %dma_wait3A_106 = arith.constant 1 : i32
        %dma_wait3A_107 = arith.constant 0 : i32
        %dma_wait3A_108 = arith.constant 0 : i32
        %dma_wait3A_109 = tpu.memref_slice %arg6[%rem3A_97, %dma_wait3A_107, %dma_wait3A_108] : memref<4x200x64xf32, #tpu.memory_space<vmem>> -> memref<1x128x64xf32, #tpu.memory_space<vmem>>
        %dma_wait3A_110 = tpu.memref_squeeze %dma_wait3A_109 : memref<1x128x64xf32, #tpu.memory_space<vmem>> -> memref<128x64xf32, #tpu.memory_space<vmem>>
        %dma_wait3A_111 = tpu.memref_slice %arg5[%dma_wait3A_106, %add3A_101] : memref<4x6400xi32, #tpu.memory_space<vmem>> -> memref<1x128xi32, #tpu.memory_space<vmem>>
        %dma_wait3A_112 = tpu.memref_squeeze %dma_wait3A_111 : memref<1x128xi32, #tpu.memory_space<vmem>> -> memref<128xi32, #tpu.memory_space<vmem>>
        %dma_wait3A_113 = arith.constant 0 : i32
        %dma_wait3A_114 = arith.constant 0 : i32
        %dma_wait3A_115 = tpu.memref_slice %arg3[%dma_wait3A_113, %dma_wait3A_114] : memref<400000x64xf32, #tpu.memory_space<hbm>> -> memref<400000x64xf32, #tpu.memory_space<hbm>>
        %dma_wait3A_116 = tpu.memref_slice %arg10[%rem3A_97] : memref<4x!tpu.dma_semaphore, #tpu.memory_space<semaphore_mem>> -> memref<1x!tpu.dma_semaphore, #tpu.memory_space<semaphore_mem>>
        %dma_wait3A_117 = tpu.memref_squeeze %dma_wait3A_116 : memref<1x!tpu.dma_semaphore, #tpu.memory_space<semaphore_mem>> -> memref<!tpu.dma_semaphore, #tpu.memory_space<semaphore_mem>>
        tpu.wait_indirect_dma semaphore(%dma_wait3A_117 : memref<!tpu.dma_semaphore, #tpu.memory_space<semaphore_mem>>) src(%dma_wait3A_115 : memref<400000x64xf32, #tpu.memory_space<hbm>>) dst(%dma_wait3A_110 : memref<128x64xf32, #tpu.memory_space<vmem>>)
        %dma_wait3A_118 = arith.constant 1 : i32
        %dma_wait3A_119 = arith.constant 128 : i32
        %dma_wait3A_120 = arith.constant 0 : i32
        %dma_wait3A_121 = tpu.memref_slice %arg6[%rem3A_97, %dma_wait3A_119, %dma_wait3A_120] : memref<4x200x64xf32, #tpu.memory_space<vmem>> -> memref<1x72x64xf32, #tpu.memory_space<vmem>>
        %dma_wait3A_122 = tpu.memref_squeeze %dma_wait3A_121 : memref<1x72x64xf32, #tpu.memory_space<vmem>> -> memref<72x64xf32, #tpu.memory_space<vmem>>
        %dma_wait3A_123 = tpu.memref_slice %arg5[%dma_wait3A_118, %add3A_105] : memref<4x6400xi32, #tpu.memory_space<vmem>> -> memref<1x72xi32, #tpu.memory_space<vmem>>
        %dma_wait3A_124 = tpu.memref_squeeze %dma_wait3A_123 : memref<1x72xi32, #tpu.memory_space<vmem>> -> memref<72xi32, #tpu.memory_space<vmem>>
        %dma_wait3A_125 = arith.constant 0 : i32
        %dma_wait3A_126 = arith.constant 0 : i32
        %dma_wait3A_127 = tpu.memref_slice %arg3[%dma_wait3A_125, %dma_wait3A_126] : memref<400000x64xf32, #tpu.memory_space<hbm>> -> memref<400000x64xf32, #tpu.memory_space<hbm>>
        %dma_wait3A_128 = tpu.memref_slice %arg10[%rem3A_97] : memref<4x!tpu.dma_semaphore, #tpu.memory_space<semaphore_mem>> -> memref<1x!tpu.dma_semaphore, #tpu.memory_space<semaphore_mem>>
        %dma_wait3A_129 = tpu.memref_squeeze %dma_wait3A_128 : memref<1x!tpu.dma_semaphore, #tpu.memory_space<semaphore_mem>> -> memref<!tpu.dma_semaphore, #tpu.memory_space<semaphore_mem>>
        tpu.wait_indirect_dma semaphore(%dma_wait3A_129 : memref<!tpu.dma_semaphore, #tpu.memory_space<semaphore_mem>>) src(%dma_wait3A_127 : memref<400000x64xf32, #tpu.memory_space<hbm>>) dst(%dma_wait3A_122 : memref<72x64xf32, #tpu.memory_space<vmem>>)
        %mul3A_130 = arith.constant 200 : i32
        %mul3A_131 = arith.muli %sub3A_95, %mul3A_130 : i32
        %add3A_132 = arith.constant 0 : i32
        %add3A_133 = arith.addi %mul3A_131, %add3A_132 : i32
        %mul3A_134 = arith.constant 200 : i32
        %mul3A_135 = arith.muli %sub3A_95, %mul3A_134 : i32
        %add3A_136 = arith.constant 128 : i32
        %add3A_137 = arith.addi %mul3A_135, %add3A_136 : i32
        %dma_wait3A_138 = arith.constant 2 : i32
        %dma_wait3A_139 = arith.constant 0 : i32
        %dma_wait3A_140 = arith.constant 0 : i32
        %dma_wait3A_141 = tpu.memref_slice %arg6[%rem3A_97, %dma_wait3A_139, %dma_wait3A_140] : memref<4x200x64xf32, #tpu.memory_space<vmem>> -> memref<1x128x64xf32, #tpu.memory_space<vmem>>
        %dma_wait3A_142 = tpu.memref_squeeze %dma_wait3A_141 : memref<1x128x64xf32, #tpu.memory_space<vmem>> -> memref<128x64xf32, #tpu.memory_space<vmem>>
        %dma_wait3A_143 = tpu.memref_slice %arg5[%dma_wait3A_138, %add3A_133] : memref<4x6400xi32, #tpu.memory_space<vmem>> -> memref<1x128xi32, #tpu.memory_space<vmem>>
        %dma_wait3A_144 = tpu.memref_squeeze %dma_wait3A_143 : memref<1x128xi32, #tpu.memory_space<vmem>> -> memref<128xi32, #tpu.memory_space<vmem>>
        %dma_wait3A_145 = arith.constant 0 : i32
        %dma_wait3A_146 = arith.constant 0 : i32
        %dma_wait3A_147 = tpu.memref_slice %arg3[%dma_wait3A_145, %dma_wait3A_146] : memref<400000x64xf32, #tpu.memory_space<hbm>> -> memref<400000x64xf32, #tpu.memory_space<hbm>>
        %dma_wait3A_148 = tpu.memref_slice %arg10[%rem3A_97] : memref<4x!tpu.dma_semaphore, #tpu.memory_space<semaphore_mem>> -> memref<1x!tpu.dma_semaphore, #tpu.memory_space<semaphore_mem>>
        %dma_wait3A_149 = tpu.memref_squeeze %dma_wait3A_148 : memref<1x!tpu.dma_semaphore, #tpu.memory_space<semaphore_mem>> -> memref<!tpu.dma_semaphore, #tpu.memory_space<semaphore_mem>>
        tpu.wait_indirect_dma semaphore(%dma_wait3A_149 : memref<!tpu.dma_semaphore, #tpu.memory_space<semaphore_mem>>) src(%dma_wait3A_147 : memref<400000x64xf32, #tpu.memory_space<hbm>>) dst(%dma_wait3A_142 : memref<128x64xf32, #tpu.memory_space<vmem>>)
        %dma_wait3A_150 = arith.constant 2 : i32
        %dma_wait3A_151 = arith.constant 128 : i32
        %dma_wait3A_152 = arith.constant 0 : i32
        %dma_wait3A_153 = tpu.memref_slice %arg6[%rem3A_97, %dma_wait3A_151, %dma_wait3A_152] : memref<4x200x64xf32, #tpu.memory_space<vmem>> -> memref<1x72x64xf32, #tpu.memory_space<vmem>>
        %dma_wait3A_154 = tpu.memref_squeeze %dma_wait3A_153 : memref<1x72x64xf32, #tpu.memory_space<vmem>> -> memref<72x64xf32, #tpu.memory_space<vmem>>
        %dma_wait3A_155 = tpu.memref_slice %arg5[%dma_wait3A_150, %add3A_137] : memref<4x6400xi32, #tpu.memory_space<vmem>> -> memref<1x72xi32, #tpu.memory_space<vmem>>
        %dma_wait3A_156 = tpu.memref_squeeze %dma_wait3A_155 : memref<1x72xi32, #tpu.memory_space<vmem>> -> memref<72xi32, #tpu.memory_space<vmem>>
        %dma_wait3A_157 = arith.constant 0 : i32
        %dma_wait3A_158 = arith.constant 0 : i32
        %dma_wait3A_159 = tpu.memref_slice %arg3[%dma_wait3A_157, %dma_wait3A_158] : memref<400000x64xf32, #tpu.memory_space<hbm>> -> memref<400000x64xf32, #tpu.memory_space<hbm>>
        %dma_wait3A_160 = tpu.memref_slice %arg10[%rem3A_97] : memref<4x!tpu.dma_semaphore, #tpu.memory_space<semaphore_mem>> -> memref<1x!tpu.dma_semaphore, #tpu.memory_space<semaphore_mem>>
        %dma_wait3A_161 = tpu.memref_squeeze %dma_wait3A_160 : memref<1x!tpu.dma_semaphore, #tpu.memory_space<semaphore_mem>> -> memref<!tpu.dma_semaphore, #tpu.memory_space<semaphore_mem>>
        tpu.wait_indirect_dma semaphore(%dma_wait3A_161 : memref<!tpu.dma_semaphore, #tpu.memory_space<semaphore_mem>>) src(%dma_wait3A_159 : memref<400000x64xf32, #tpu.memory_space<hbm>>) dst(%dma_wait3A_154 : memref<72x64xf32, #tpu.memory_space<vmem>>)
        %mul3A_162 = arith.constant 200 : i32
        %mul3A_163 = arith.muli %sub3A_95, %mul3A_162 : i32
        %add3A_164 = arith.constant 0 : i32
        %add3A_165 = arith.addi %mul3A_163, %add3A_164 : i32
        %mul3A_166 = arith.constant 200 : i32
        %mul3A_167 = arith.muli %sub3A_95, %mul3A_166 : i32
        %add3A_168 = arith.constant 128 : i32
        %add3A_169 = arith.addi %mul3A_167, %add3A_168 : i32
        %dma_wait3A_170 = arith.constant 3 : i32
        %dma_wait3A_171 = arith.constant 0 : i32
        %dma_wait3A_172 = arith.constant 0 : i32
        %dma_wait3A_173 = tpu.memref_slice %arg6[%rem3A_97, %dma_wait3A_171, %dma_wait3A_172] : memref<4x200x64xf32, #tpu.memory_space<vmem>> -> memref<1x128x64xf32, #tpu.memory_space<vmem>>
        %dma_wait3A_174 = tpu.memref_squeeze %dma_wait3A_173 : memref<1x128x64xf32, #tpu.memory_space<vmem>> -> memref<128x64xf32, #tpu.memory_space<vmem>>
        %dma_wait3A_175 = tpu.memref_slice %arg5[%dma_wait3A_170, %add3A_165] : memref<4x6400xi32, #tpu.memory_space<vmem>> -> memref<1x128xi32, #tpu.memory_space<vmem>>
        %dma_wait3A_176 = tpu.memref_squeeze %dma_wait3A_175 : memref<1x128xi32, #tpu.memory_space<vmem>> -> memref<128xi32, #tpu.memory_space<vmem>>
        %dma_wait3A_177 = arith.constant 0 : i32
        %dma_wait3A_178 = arith.constant 0 : i32
        %dma_wait3A_179 = tpu.memref_slice %arg3[%dma_wait3A_177, %dma_wait3A_178] : memref<400000x64xf32, #tpu.memory_space<hbm>> -> memref<400000x64xf32, #tpu.memory_space<hbm>>
        %dma_wait3A_180 = tpu.memref_slice %arg10[%rem3A_97] : memref<4x!tpu.dma_semaphore, #tpu.memory_space<semaphore_mem>> -> memref<1x!tpu.dma_semaphore, #tpu.memory_space<semaphore_mem>>
        %dma_wait3A_181 = tpu.memref_squeeze %dma_wait3A_180 : memref<1x!tpu.dma_semaphore, #tpu.memory_space<semaphore_mem>> -> memref<!tpu.dma_semaphore, #tpu.memory_space<semaphore_mem>>
        tpu.wait_indirect_dma semaphore(%dma_wait3A_181 : memref<!tpu.dma_semaphore, #tpu.memory_space<semaphore_mem>>) src(%dma_wait3A_179 : memref<400000x64xf32, #tpu.memory_space<hbm>>) dst(%dma_wait3A_174 : memref<128x64xf32, #tpu.memory_space<vmem>>)
        %dma_wait3A_182 = arith.constant 3 : i32
        %dma_wait3A_183 = arith.constant 128 : i32
        %dma_wait3A_184 = arith.constant 0 : i32
        %dma_wait3A_185 = tpu.memref_slice %arg6[%rem3A_97, %dma_wait3A_183, %dma_wait3A_184] : memref<4x200x64xf32, #tpu.memory_space<vmem>> -> memref<1x72x64xf32, #tpu.memory_space<vmem>>
        %dma_wait3A_186 = tpu.memref_squeeze %dma_wait3A_185 : memref<1x72x64xf32, #tpu.memory_space<vmem>> -> memref<72x64xf32, #tpu.memory_space<vmem>>
        %dma_wait3A_187 = tpu.memref_slice %arg5[%dma_wait3A_182, %add3A_169] : memref<4x6400xi32, #tpu.memory_space<vmem>> -> memref<1x72xi32, #tpu.memory_space<vmem>>
        %dma_wait3A_188 = tpu.memref_squeeze %dma_wait3A_187 : memref<1x72xi32, #tpu.memory_space<vmem>> -> memref<72xi32, #tpu.memory_space<vmem>>
        %dma_wait3A_189 = arith.constant 0 : i32
        %dma_wait3A_190 = arith.constant 0 : i32
        %dma_wait3A_191 = tpu.memref_slice %arg3[%dma_wait3A_189, %dma_wait3A_190] : memref<400000x64xf32, #tpu.memory_space<hbm>> -> memref<400000x64xf32, #tpu.memory_space<hbm>>
        %dma_wait3A_192 = tpu.memref_slice %arg10[%rem3A_97] : memref<4x!tpu.dma_semaphore, #tpu.memory_space<semaphore_mem>> -> memref<1x!tpu.dma_semaphore, #tpu.memory_space<semaphore_mem>>
        %dma_wait3A_193 = tpu.memref_squeeze %dma_wait3A_192 : memref<1x!tpu.dma_semaphore, #tpu.memory_space<semaphore_mem>> -> memref<!tpu.dma_semaphore, #tpu.memory_space<semaphore_mem>>
        tpu.wait_indirect_dma semaphore(%dma_wait3A_193 : memref<!tpu.dma_semaphore, #tpu.memory_space<semaphore_mem>>) src(%dma_wait3A_191 : memref<400000x64xf32, #tpu.memory_space<hbm>>) dst(%dma_wait3A_186 : memref<72x64xf32, #tpu.memory_space<vmem>>)
        %jit3A = arith.constant 2 : i32
        %div3A = arith.divsi %sub3A_95, %jit3A : i32
        %sign3A = arith.constant 0 : i32
        %sign3A_194 = arith.cmpi sgt, %sub3A_95, %sign3A : i32
        %sign3A_195 = arith.extui %sign3A_194 : i1 to i32
        %sign3A_196 = arith.constant 0 : i32
        %sign3A_197 = arith.cmpi slt, %sub3A_95, %sign3A_196 : i32
        %sign3A_198 = arith.extui %sign3A_197 : i1 to i32
        %sign3A_199 = arith.subi %sign3A_195, %sign3A_198 : i32
        %sign3A_200 = arith.constant 0 : i32
        %sign3A_201 = arith.cmpi sgt, %jit3A, %sign3A_200 : i32
        %sign3A_202 = arith.extui %sign3A_201 : i1 to i32
        %sign3A_203 = arith.constant 0 : i32
        %sign3A_204 = arith.cmpi slt, %jit3A, %sign3A_203 : i32
        %sign3A_205 = arith.extui %sign3A_204 : i1 to i32
        %sign3A_206 = arith.subi %sign3A_202, %sign3A_205 : i32
        %ne3A = arith.cmpi ne, %sign3A_199, %sign3A_206 : i32
        %rem3A_207 = arith.remsi %sub3A_95, %jit3A : i32
        %ne3A_208 = arith.constant 0 : i32
        %ne3A_209 = arith.cmpi ne, %rem3A_207, %ne3A_208 : i32
        %and3A_210 = arith.andi %ne3A, %ne3A_209 : i1
        %sub3A_211 = arith.constant 1 : i32
        %sub3A_212 = arith.subi %div3A, %sub3A_211 : i32
        %select_n3A = arith.select %and3A_210, %sub3A_212, %div3A : i32
        %jit3A_213 = arith.constant 2 : i32
        %eq3A = arith.constant 0 : i32
        %eq3A_214 = arith.cmpi eq, %jit3A_213, %eq3A : i32
        %jit3A_215 = arith.constant 1 : i32
        %select_n3A_216 = arith.select %eq3A_214, %jit3A_215, %jit3A_213 : i32
        %rem3A_217 = arith.remsi %select_n3A, %select_n3A_216 : i32
        %ne3A_218 = arith.constant 0 : i32
        %ne3A_219 = arith.cmpi ne, %rem3A_217, %ne3A_218 : i32
        %lt3A_220 = arith.constant 0 : i32
        %lt3A_221 = arith.cmpi slt, %rem3A_217, %lt3A_220 : i32
        %lt3A_222 = arith.constant 0 : i32
        %lt3A_223 = arith.cmpi slt, %select_n3A_216, %lt3A_222 : i32
        %ne3A_224 = arith.xori %lt3A_221, %lt3A_223 : i1
        %and3A_225 = arith.andi %ne3A_224, %ne3A_219 : i1
        %add3A_226 = arith.addi %rem3A_217, %select_n3A_216 : i32
        %select_n3A_227 = arith.select %and3A_225, %add3A_226, %rem3A_217 : i32
        %jit3A_228 = arith.constant 2 : i32
        %eq3A_229 = arith.constant 0 : i32
        %eq3A_230 = arith.cmpi eq, %jit3A_228, %eq3A_229 : i32
        %jit3A_231 = arith.constant 1 : i32
        %select_n3A_232 = arith.select %eq3A_230, %jit3A_231, %jit3A_228 : i32
        %rem3A_233 = arith.remsi %sub3A_95, %select_n3A_232 : i32
        %ne3A_234 = arith.constant 0 : i32
        %ne3A_235 = arith.cmpi ne, %rem3A_233, %ne3A_234 : i32
        %lt3A_236 = arith.constant 0 : i32
        %lt3A_237 = arith.cmpi slt, %rem3A_233, %lt3A_236 : i32
        %lt3A_238 = arith.constant 0 : i32
        %lt3A_239 = arith.cmpi slt, %select_n3A_232, %lt3A_238 : i32
        %ne3A_240 = arith.xori %lt3A_237, %lt3A_239 : i1
        %and3A_241 = arith.andi %ne3A_240, %ne3A_235 : i1
        %add3A_242 = arith.addi %rem3A_233, %select_n3A_232 : i32
        %select_n3A_243 = arith.select %and3A_241, %add3A_242, %rem3A_233 : i32
        %mul3A_244 = arith.constant 4 : i32
        %mul3A_245 = arith.muli %select_n3A_243, %mul3A_244 : i32
        %jit3A_246 = arith.constant 2 : i32
        %eq3A_247 = arith.constant 0 : i32
        %eq3A_248 = arith.cmpi eq, %jit3A_246, %eq3A_247 : i32
        %jit3A_249 = arith.constant 1 : i32
        %select_n3A_250 = arith.select %eq3A_248, %jit3A_249, %jit3A_246 : i32
        %rem3A_251 = arith.remsi %sub3A_95, %select_n3A_250 : i32
        %ne3A_252 = arith.constant 0 : i32
        %ne3A_253 = arith.cmpi ne, %rem3A_251, %ne3A_252 : i32
        %lt3A_254 = arith.constant 0 : i32
        %lt3A_255 = arith.cmpi slt, %rem3A_251, %lt3A_254 : i32
        %lt3A_256 = arith.constant 0 : i32
        %lt3A_257 = arith.cmpi slt, %select_n3A_250, %lt3A_256 : i32
        %ne3A_258 = arith.xori %lt3A_255, %lt3A_257 : i1
        %and3A_259 = arith.andi %ne3A_258, %ne3A_253 : i1
        %add3A_260 = arith.addi %rem3A_251, %select_n3A_250 : i32
        %select_n3A_261 = arith.select %and3A_259, %add3A_260, %rem3A_251 : i32
        %eq3A_262 = arith.constant 0 : i32
        %eq3A_263 = arith.cmpi eq, %select_n3A_261, %eq3A_262 : i32
        %ge3A_264 = arith.constant 4 : i32
        %ge3A_265 = arith.cmpi sge, %sub3A_95, %ge3A_264 : i32
        %and3A_266 = arith.andi %eq3A_263, %ge3A_265 : i1
        %convert_element_type3A_267 = arith.extui %and3A_266 : i1 to i32
        %cond3A_268 = arith.constant 0 : i32
        %cond3A_269 = arith.cmpi ne, %convert_element_type3A_267, %cond3A_268 : i32
        scf.if %cond3A_269 {
          %sub3A_309 = arith.constant 2 : i32
          %sub3A_310 = arith.subi %select_n3A, %sub3A_309 : i32
          %jit3A_311 = arith.constant 2 : i32
          %eq3A_312 = arith.constant 0 : i32
          %eq3A_313 = arith.cmpi eq, %jit3A_311, %eq3A_312 : i32
          %jit3A_314 = arith.constant 1 : i32
          %select_n3A_315 = arith.select %eq3A_313, %jit3A_314, %jit3A_311 : i32
          %rem3A_316 = arith.remsi %sub3A_310, %select_n3A_315 : i32
          %ne3A_317 = arith.constant 0 : i32
          %ne3A_318 = arith.cmpi ne, %rem3A_316, %ne3A_317 : i32
          %lt3A_319 = arith.constant 0 : i32
          %lt3A_320 = arith.cmpi slt, %rem3A_316, %lt3A_319 : i32
          %lt3A_321 = arith.constant 0 : i32
          %lt3A_322 = arith.cmpi slt, %select_n3A_315, %lt3A_321 : i32
          %ne3A_323 = arith.xori %lt3A_320, %lt3A_322 : i1
          %and3A_324 = arith.andi %ne3A_323, %ne3A_318 : i1
          %add3A_325 = arith.addi %rem3A_316, %select_n3A_315 : i32
          %select_n3A_326 = arith.select %and3A_324, %add3A_325, %rem3A_316 : i32
          %mul3A_327 = arith.constant 8 : i32
          %mul3A_328 = arith.muli %sub3A_310, %mul3A_327 : i32
          %add3A_329 = arith.addi %mul3A_4, %mul3A_328 : i32
          %jit3A_330 = arith.constant 2 : i32
          %eq3A_331 = arith.constant 0 : i32
          %eq3A_332 = arith.cmpi eq, %jit3A_330, %eq3A_331 : i32
          %jit3A_333 = arith.constant 1 : i32
          %select_n3A_334 = arith.select %eq3A_332, %jit3A_333, %jit3A_330 : i32
          %rem3A_335 = arith.remsi %sub3A_310, %select_n3A_334 : i32
          %ne3A_336 = arith.constant 0 : i32
          %ne3A_337 = arith.cmpi ne, %rem3A_335, %ne3A_336 : i32
          %lt3A_338 = arith.constant 0 : i32
          %lt3A_339 = arith.cmpi slt, %rem3A_335, %lt3A_338 : i32
          %lt3A_340 = arith.constant 0 : i32
          %lt3A_341 = arith.cmpi slt, %select_n3A_334, %lt3A_340 : i32
          %ne3A_342 = arith.xori %lt3A_339, %lt3A_341 : i1
          %and3A_343 = arith.andi %ne3A_342, %ne3A_337 : i1
          %add3A_344 = arith.addi %rem3A_335, %select_n3A_334 : i32
          %select_n3A_345 = arith.select %and3A_343, %add3A_344, %rem3A_335 : i32
          %dma_wait3A_346 = arith.constant 0 : i32
          %dma_wait3A_347 = arith.constant 0 : i32
          %dma_wait3A_348 = tpu.memref_slice %arg7[%select_n3A_326, %dma_wait3A_346, %dma_wait3A_347] : memref<2x3200x8xf32, #tpu.memory_space<vmem>> -> memref<1x3200x8xf32, #tpu.memory_space<vmem>>
          %dma_wait3A_349 = tpu.memref_squeeze %dma_wait3A_348 : memref<1x3200x8xf32, #tpu.memory_space<vmem>> -> memref<3200x8xf32, #tpu.memory_space<vmem>>
          %dma_wait3A_350 = arith.constant 0 : i32
          %dma_wait3A_351 = tpu.memref_slice %arg4[%dma_wait3A_350, %add3A_329] : memref<3200x4096xf32, #tpu.memory_space<hbm>> -> memref<3200x8xf32, #tpu.memory_space<hbm>>
          %dma_wait3A_352 = tpu.memref_slice %arg11[%select_n3A_345] : memref<2x!tpu.dma_semaphore, #tpu.memory_space<semaphore_mem>> -> memref<1x!tpu.dma_semaphore, #tpu.memory_space<semaphore_mem>>
          %dma_wait3A_353 = tpu.memref_squeeze %dma_wait3A_352 : memref<1x!tpu.dma_semaphore, #tpu.memory_space<semaphore_mem>> -> memref<!tpu.dma_semaphore, #tpu.memory_space<semaphore_mem>>
          %dma_wait3A_354 = arith.constant 0 : i32
          %dma_wait3A_355 = tpu.memref_slice %arg4[%dma_wait3A_354, %add3A_329] : memref<3200x4096xf32, #tpu.memory_space<hbm>> -> memref<3200x8xf32, #tpu.memory_space<hbm>>
          %dma_wait3A_356 = arith.constant 0 : i32
          %dma_wait3A_357 = arith.constant 0 : i32
          %dma_wait3A_358 = tpu.memref_slice %arg7[%select_n3A_326, %dma_wait3A_356, %dma_wait3A_357] : memref<2x3200x8xf32, #tpu.memory_space<vmem>> -> memref<1x3200x8xf32, #tpu.memory_space<vmem>>
          %dma_wait3A_359 = tpu.memref_squeeze %dma_wait3A_358 : memref<1x3200x8xf32, #tpu.memory_space<vmem>> -> memref<3200x8xf32, #tpu.memory_space<vmem>>
          tpu.wait_dma2 semaphore(%dma_wait3A_353 : memref<!tpu.dma_semaphore, #tpu.memory_space<semaphore_mem>>) src(%dma_wait3A_359 : memref<3200x8xf32, #tpu.memory_space<vmem>>) dst(%dma_wait3A_355 : memref<3200x8xf32, #tpu.memory_space<hbm>>)
        } else {
        }
        %add3A_270 = arith.constant 0 : i32
        %add3A_271 = arith.addi %mul3A_245, %add3A_270 : i32
        %broadcast_in_dim3A = vector.broadcast %add3A_271 : i32 to vector<16xi32>
        %add3A_272 = arith.constant 1 : i32
        %add3A_273 = arith.addi %mul3A_245, %add3A_272 : i32
        %broadcast_in_dim3A_274 = vector.broadcast %add3A_273 : i32 to vector<16xi32>
        %add3A_275 = arith.constant 2 : i32
        %add3A_276 = arith.addi %mul3A_245, %add3A_275 : i32
        %broadcast_in_dim3A_277 = vector.broadcast %add3A_276 : i32 to vector<16xi32>
        %add3A_278 = arith.constant 3 : i32
        %add3A_279 = arith.addi %mul3A_245, %add3A_278 : i32
        %broadcast_in_dim3A_280 = vector.broadcast %add3A_279 : i32 to vector<16xi32>
        %scan3A_281 = arith.constant 0 : i32
        %scan3A_282 = arith.constant 0 : i32
        %scan3A_283 = arith.constant 50 : i32
        %scan3A_284 = arith.addi %scan3A_282, %scan3A_283 : i32
        %scan3A_285 = arith.constant 1 : i32
        %scan3A_286 = scf.for %scan3A_309 = %scan3A_282 to %scan3A_284 step %scan3A_285 iter_args(%scan3A_310 = %scan3A_281) -> (i32)  : i32 {
          %mul3A_311 = arith.constant 64 : i32
          %mul3A_312 = arith.muli %scan3A_309, %mul3A_311 : i32
          %add3A_313 = vector.broadcast %mul3A_312 : i32 to vector<16xi32>
          %add3A_314 = arith.addi %add3A_19, %add3A_313 : vector<16xi32>
          %add3A_315 = vector.broadcast %mul3A_312 : i32 to vector<16xi32>
          %add3A_316 = arith.addi %add3A_23, %add3A_315 : vector<16xi32>
          %add3A_317 = vector.broadcast %mul3A_312 : i32 to vector<16xi32>
          %add3A_318 = arith.addi %add3A_27, %add3A_317 : vector<16xi32>
          %add3A_319 = vector.broadcast %mul3A_312 : i32 to vector<16xi32>
          %add3A_320 = arith.addi %add3A_31, %add3A_319 : vector<16xi32>
          %add3A_321 = arith.constant 0 : i32
          %add3A_322 = arith.addi %add3A_321, %scan3A_309 : i32
          %get3A = arith.index_cast %rem3A_97 : i32 to index
          %get3A_323 = arith.index_cast %add3A_322 : i32 to index
          %get3A_324 = arith.constant 0 : index
          %get3A_325 = tpu.vector_load %arg6[%get3A, %get3A_323, %get3A_324] {strides = array<i32>} : memref<4x200x64xf32, #tpu.memory_space<vmem>>, vector<16xf32>,
          %scatter3A = arith.constant 0 : i32
          %scatter3A_326 = arith.constant 0 : i32
          %scatter3A_327 = tpu.memref_slice %arg7[%select_n3A_227, %scatter3A, %scatter3A_326] : memref<2x3200x8xf32, #tpu.memory_space<vmem>> -> memref<1x3200x8xf32, #tpu.memory_space<vmem>>
          %scatter3A_328 = tpu.memref_squeeze %scatter3A_327 : memref<1x3200x8xf32, #tpu.memory_space<vmem>> -> memref<3200x8xf32, #tpu.memory_space<vmem>>
          tpu.vector_store_idx %scatter3A_328[%add3A_314, %broadcast_in_dim3A], %get3A_325 : memref<3200x8xf32, #tpu.memory_space<vmem>>[vector<16xi32>, vector<16xi32>], vector<16xf32>,
          %get3A_329 = arith.index_cast %rem3A_97 : i32 to index
          %get3A_330 = arith.index_cast %add3A_322 : i32 to index
          %get3A_331 = arith.constant 16 : index
          %get3A_332 = tpu.vector_load %arg6[%get3A_329, %get3A_330, %get3A_331] {strides = array<i32>} : memref<4x200x64xf32, #tpu.memory_space<vmem>>, vector<16xf32>,
          %scatter3A_333 = arith.constant 0 : i32
          %scatter3A_334 = arith.constant 0 : i32
          %scatter3A_335 = tpu.memref_slice %arg7[%select_n3A_227, %scatter3A_333, %scatter3A_334] : memref<2x3200x8xf32, #tpu.memory_space<vmem>> -> memref<1x3200x8xf32, #tpu.memory_space<vmem>>
          %scatter3A_336 = tpu.memref_squeeze %scatter3A_335 : memref<1x3200x8xf32, #tpu.memory_space<vmem>> -> memref<3200x8xf32, #tpu.memory_space<vmem>>
          tpu.vector_store_idx %scatter3A_336[%add3A_316, %broadcast_in_dim3A], %get3A_332 : memref<3200x8xf32, #tpu.memory_space<vmem>>[vector<16xi32>, vector<16xi32>], vector<16xf32>,
          %get3A_337 = arith.index_cast %rem3A_97 : i32 to index
          %get3A_338 = arith.index_cast %add3A_322 : i32 to index
          %get3A_339 = arith.constant 32 : index
          %get3A_340 = tpu.vector_load %arg6[%get3A_337, %get3A_338, %get3A_339] {strides = array<i32>} : memref<4x200x64xf32, #tpu.memory_space<vmem>>, vector<16xf32>,
          %scatter3A_341 = arith.constant 0 : i32
          %scatter3A_342 = arith.constant 0 : i32
          %scatter3A_343 = tpu.memref_slice %arg7[%select_n3A_227, %scatter3A_341, %scatter3A_342] : memref<2x3200x8xf32, #tpu.memory_space<vmem>> -> memref<1x3200x8xf32, #tpu.memory_space<vmem>>
          %scatter3A_344 = tpu.memref_squeeze %scatter3A_343 : memref<1x3200x8xf32, #tpu.memory_space<vmem>> -> memref<3200x8xf32, #tpu.memory_space<vmem>>
          tpu.vector_store_idx %scatter3A_344[%add3A_318, %broadcast_in_dim3A], %get3A_340 : memref<3200x8xf32, #tpu.memory_space<vmem>>[vector<16xi32>, vector<16xi32>], vector<16xf32>,
          %get3A_345 = arith.index_cast %rem3A_97 : i32 to index
          %get3A_346 = arith.index_cast %add3A_322 : i32 to index
          %get3A_347 = arith.constant 48 : index
          %get3A_348 = tpu.vector_load %arg6[%get3A_345, %get3A_346, %get3A_347] {strides = array<i32>} : memref<4x200x64xf32, #tpu.memory_space<vmem>>, vector<16xf32>,
          %scatter3A_349 = arith.constant 0 : i32
          %scatter3A_350 = arith.constant 0 : i32
          %scatter3A_351 = tpu.memref_slice %arg7[%select_n3A_227, %scatter3A_349, %scatter3A_350] : memref<2x3200x8xf32, #tpu.memory_space<vmem>> -> memref<1x3200x8xf32, #tpu.memory_space<vmem>>
          %scatter3A_352 = tpu.memref_squeeze %scatter3A_351 : memref<1x3200x8xf32, #tpu.memory_space<vmem>> -> memref<3200x8xf32, #tpu.memory_space<vmem>>
          tpu.vector_store_idx %scatter3A_352[%add3A_320, %broadcast_in_dim3A], %get3A_348 : memref<3200x8xf32, #tpu.memory_space<vmem>>[vector<16xi32>, vector<16xi32>], vector<16xf32>,
          %add3A_353 = arith.constant 50 : i32
          %add3A_354 = arith.addi %add3A_353, %scan3A_309 : i32
          %get3A_355 = arith.index_cast %rem3A_97 : i32 to index
          %get3A_356 = arith.index_cast %add3A_354 : i32 to index
          %get3A_357 = arith.constant 0 : index
          %get3A_358 = tpu.vector_load %arg6[%get3A_355, %get3A_356, %get3A_357] {strides = array<i32>} : memref<4x200x64xf32, #tpu.memory_space<vmem>>, vector<16xf32>,
          %scatter3A_359 = arith.constant 0 : i32
          %scatter3A_360 = arith.constant 0 : i32
          %scatter3A_361 = tpu.memref_slice %arg7[%select_n3A_227, %scatter3A_359, %scatter3A_360] : memref<2x3200x8xf32, #tpu.memory_space<vmem>> -> memref<1x3200x8xf32, #tpu.memory_space<vmem>>
          %scatter3A_362 = tpu.memref_squeeze %scatter3A_361 : memref<1x3200x8xf32, #tpu.memory_space<vmem>> -> memref<3200x8xf32, #tpu.memory_space<vmem>>
          tpu.vector_store_idx %scatter3A_362[%add3A_314, %broadcast_in_dim3A_274], %get3A_358 : memref<3200x8xf32, #tpu.memory_space<vmem>>[vector<16xi32>, vector<16xi32>], vector<16xf32>,
          %get3A_363 = arith.index_cast %rem3A_97 : i32 to index
          %get3A_364 = arith.index_cast %add3A_354 : i32 to index
          %get3A_365 = arith.constant 16 : index
          %get3A_366 = tpu.vector_load %arg6[%get3A_363, %get3A_364, %get3A_365] {strides = array<i32>} : memref<4x200x64xf32, #tpu.memory_space<vmem>>, vector<16xf32>,
          %scatter3A_367 = arith.constant 0 : i32
          %scatter3A_368 = arith.constant 0 : i32
          %scatter3A_369 = tpu.memref_slice %arg7[%select_n3A_227, %scatter3A_367, %scatter3A_368] : memref<2x3200x8xf32, #tpu.memory_space<vmem>> -> memref<1x3200x8xf32, #tpu.memory_space<vmem>>
          %scatter3A_370 = tpu.memref_squeeze %scatter3A_369 : memref<1x3200x8xf32, #tpu.memory_space<vmem>> -> memref<3200x8xf32, #tpu.memory_space<vmem>>
          tpu.vector_store_idx %scatter3A_370[%add3A_316, %broadcast_in_dim3A_274], %get3A_366 : memref<3200x8xf32, #tpu.memory_space<vmem>>[vector<16xi32>, vector<16xi32>], vector<16xf32>,
          %get3A_371 = arith.index_cast %rem3A_97 : i32 to index
          %get3A_372 = arith.index_cast %add3A_354 : i32 to index
          %get3A_373 = arith.constant 32 : index
          %get3A_374 = tpu.vector_load %arg6[%get3A_371, %get3A_372, %get3A_373] {strides = array<i32>} : memref<4x200x64xf32, #tpu.memory_space<vmem>>, vector<16xf32>,
          %scatter3A_375 = arith.constant 0 : i32
          %scatter3A_376 = arith.constant 0 : i32
          %scatter3A_377 = tpu.memref_slice %arg7[%select_n3A_227, %scatter3A_375, %scatter3A_376] : memref<2x3200x8xf32, #tpu.memory_space<vmem>> -> memref<1x3200x8xf32, #tpu.memory_space<vmem>>
          %scatter3A_378 = tpu.memref_squeeze %scatter3A_377 : memref<1x3200x8xf32, #tpu.memory_space<vmem>> -> memref<3200x8xf32, #tpu.memory_space<vmem>>
          tpu.vector_store_idx %scatter3A_378[%add3A_318, %broadcast_in_dim3A_274], %get3A_374 : memref<3200x8xf32, #tpu.memory_space<vmem>>[vector<16xi32>, vector<16xi32>], vector<16xf32>,
          %get3A_379 = arith.index_cast %rem3A_97 : i32 to index
          %get3A_380 = arith.index_cast %add3A_354 : i32 to index
          %get3A_381 = arith.constant 48 : index
          %get3A_382 = tpu.vector_load %arg6[%get3A_379, %get3A_380, %get3A_381] {strides = array<i32>} : memref<4x200x64xf32, #tpu.memory_space<vmem>>, vector<16xf32>,
          %scatter3A_383 = arith.constant 0 : i32
          %scatter3A_384 = arith.constant 0 : i32
          %scatter3A_385 = tpu.memref_slice %arg7[%select_n3A_227, %scatter3A_383, %scatter3A_384] : memref<2x3200x8xf32, #tpu.memory_space<vmem>> -> memref<1x3200x8xf32, #tpu.memory_space<vmem>>
          %scatter3A_386 = tpu.memref_squeeze %scatter3A_385 : memref<1x3200x8xf32, #tpu.memory_space<vmem>> -> memref<3200x8xf32, #tpu.memory_space<vmem>>
          tpu.vector_store_idx %scatter3A_386[%add3A_320, %broadcast_in_dim3A_274], %get3A_382 : memref<3200x8xf32, #tpu.memory_space<vmem>>[vector<16xi32>, vector<16xi32>], vector<16xf32>,
          %add3A_387 = arith.constant 100 : i32
          %add3A_388 = arith.addi %add3A_387, %scan3A_309 : i32
          %get3A_389 = arith.index_cast %rem3A_97 : i32 to index
          %get3A_390 = arith.index_cast %add3A_388 : i32 to index
          %get3A_391 = arith.constant 0 : index
          %get3A_392 = tpu.vector_load %arg6[%get3A_389, %get3A_390, %get3A_391] {strides = array<i32>} : memref<4x200x64xf32, #tpu.memory_space<vmem>>, vector<16xf32>,
          %scatter3A_393 = arith.constant 0 : i32
          %scatter3A_394 = arith.constant 0 : i32
          %scatter3A_395 = tpu.memref_slice %arg7[%select_n3A_227, %scatter3A_393, %scatter3A_394] : memref<2x3200x8xf32, #tpu.memory_space<vmem>> -> memref<1x3200x8xf32, #tpu.memory_space<vmem>>
          %scatter3A_396 = tpu.memref_squeeze %scatter3A_395 : memref<1x3200x8xf32, #tpu.memory_space<vmem>> -> memref<3200x8xf32, #tpu.memory_space<vmem>>
          tpu.vector_store_idx %scatter3A_396[%add3A_314, %broadcast_in_dim3A_277], %get3A_392 : memref<3200x8xf32, #tpu.memory_space<vmem>>[vector<16xi32>, vector<16xi32>], vector<16xf32>,
          %get3A_397 = arith.index_cast %rem3A_97 : i32 to index
          %get3A_398 = arith.index_cast %add3A_388 : i32 to index
          %get3A_399 = arith.constant 16 : index
          %get3A_400 = tpu.vector_load %arg6[%get3A_397, %get3A_398, %get3A_399] {strides = array<i32>} : memref<4x200x64xf32, #tpu.memory_space<vmem>>, vector<16xf32>,
          %scatter3A_401 = arith.constant 0 : i32
          %scatter3A_402 = arith.constant 0 : i32
          %scatter3A_403 = tpu.memref_slice %arg7[%select_n3A_227, %scatter3A_401, %scatter3A_402] : memref<2x3200x8xf32, #tpu.memory_space<vmem>> -> memref<1x3200x8xf32, #tpu.memory_space<vmem>>
          %scatter3A_404 = tpu.memref_squeeze %scatter3A_403 : memref<1x3200x8xf32, #tpu.memory_space<vmem>> -> memref<3200x8xf32, #tpu.memory_space<vmem>>
          tpu.vector_store_idx %scatter3A_404[%add3A_316, %broadcast_in_dim3A_277], %get3A_400 : memref<3200x8xf32, #tpu.memory_space<vmem>>[vector<16xi32>, vector<16xi32>], vector<16xf32>,
          %get3A_405 = arith.index_cast %rem3A_97 : i32 to index
          %get3A_406 = arith.index_cast %add3A_388 : i32 to index
          %get3A_407 = arith.constant 32 : index
          %get3A_408 = tpu.vector_load %arg6[%get3A_405, %get3A_406, %get3A_407] {strides = array<i32>} : memref<4x200x64xf32, #tpu.memory_space<vmem>>, vector<16xf32>,
          %scatter3A_409 = arith.constant 0 : i32
          %scatter3A_410 = arith.constant 0 : i32
          %scatter3A_411 = tpu.memref_slice %arg7[%select_n3A_227, %scatter3A_409, %scatter3A_410] : memref<2x3200x8xf32, #tpu.memory_space<vmem>> -> memref<1x3200x8xf32, #tpu.memory_space<vmem>>
          %scatter3A_412 = tpu.memref_squeeze %scatter3A_411 : memref<1x3200x8xf32, #tpu.memory_space<vmem>> -> memref<3200x8xf32, #tpu.memory_space<vmem>>
          tpu.vector_store_idx %scatter3A_412[%add3A_318, %broadcast_in_dim3A_277], %get3A_408 : memref<3200x8xf32, #tpu.memory_space<vmem>>[vector<16xi32>, vector<16xi32>], vector<16xf32>,
          %get3A_413 = arith.index_cast %rem3A_97 : i32 to index
          %get3A_414 = arith.index_cast %add3A_388 : i32 to index
          %get3A_415 = arith.constant 48 : index
          %get3A_416 = tpu.vector_load %arg6[%get3A_413, %get3A_414, %get3A_415] {strides = array<i32>} : memref<4x200x64xf32, #tpu.memory_space<vmem>>, vector<16xf32>,
          %scatter3A_417 = arith.constant 0 : i32
          %scatter3A_418 = arith.constant 0 : i32
          %scatter3A_419 = tpu.memref_slice %arg7[%select_n3A_227, %scatter3A_417, %scatter3A_418] : memref<2x3200x8xf32, #tpu.memory_space<vmem>> -> memref<1x3200x8xf32, #tpu.memory_space<vmem>>
          %scatter3A_420 = tpu.memref_squeeze %scatter3A_419 : memref<1x3200x8xf32, #tpu.memory_space<vmem>> -> memref<3200x8xf32, #tpu.memory_space<vmem>>
          tpu.vector_store_idx %scatter3A_420[%add3A_320, %broadcast_in_dim3A_277], %get3A_416 : memref<3200x8xf32, #tpu.memory_space<vmem>>[vector<16xi32>, vector<16xi32>], vector<16xf32>,
          %add3A_421 = arith.constant 150 : i32
          %add3A_422 = arith.addi %add3A_421, %scan3A_309 : i32
          %get3A_423 = arith.index_cast %rem3A_97 : i32 to index
          %get3A_424 = arith.index_cast %add3A_422 : i32 to index
          %get3A_425 = arith.constant 0 : index
          %get3A_426 = tpu.vector_load %arg6[%get3A_423, %get3A_424, %get3A_425] {strides = array<i32>} : memref<4x200x64xf32, #tpu.memory_space<vmem>>, vector<16xf32>,
          %scatter3A_427 = arith.constant 0 : i32
          %scatter3A_428 = arith.constant 0 : i32
          %scatter3A_429 = tpu.memref_slice %arg7[%select_n3A_227, %scatter3A_427, %scatter3A_428] : memref<2x3200x8xf32, #tpu.memory_space<vmem>> -> memref<1x3200x8xf32, #tpu.memory_space<vmem>>
          %scatter3A_430 = tpu.memref_squeeze %scatter3A_429 : memref<1x3200x8xf32, #tpu.memory_space<vmem>> -> memref<3200x8xf32, #tpu.memory_space<vmem>>
          tpu.vector_store_idx %scatter3A_430[%add3A_314, %broadcast_in_dim3A_280], %get3A_426 : memref<3200x8xf32, #tpu.memory_space<vmem>>[vector<16xi32>, vector<16xi32>], vector<16xf32>,
          %get3A_431 = arith.index_cast %rem3A_97 : i32 to index
          %get3A_432 = arith.index_cast %add3A_422 : i32 to index
          %get3A_433 = arith.constant 16 : index
          %get3A_434 = tpu.vector_load %arg6[%get3A_431, %get3A_432, %get3A_433] {strides = array<i32>} : memref<4x200x64xf32, #tpu.memory_space<vmem>>, vector<16xf32>,
          %scatter3A_435 = arith.constant 0 : i32
          %scatter3A_436 = arith.constant 0 : i32
          %scatter3A_437 = tpu.memref_slice %arg7[%select_n3A_227, %scatter3A_435, %scatter3A_436] : memref<2x3200x8xf32, #tpu.memory_space<vmem>> -> memref<1x3200x8xf32, #tpu.memory_space<vmem>>
          %scatter3A_438 = tpu.memref_squeeze %scatter3A_437 : memref<1x3200x8xf32, #tpu.memory_space<vmem>> -> memref<3200x8xf32, #tpu.memory_space<vmem>>
          tpu.vector_store_idx %scatter3A_438[%add3A_316, %broadcast_in_dim3A_280], %get3A_434 : memref<3200x8xf32, #tpu.memory_space<vmem>>[vector<16xi32>, vector<16xi32>], vector<16xf32>,
          %get3A_439 = arith.index_cast %rem3A_97 : i32 to index
          %get3A_440 = arith.index_cast %add3A_422 : i32 to index
          %get3A_441 = arith.constant 32 : index
          %get3A_442 = tpu.vector_load %arg6[%get3A_439, %get3A_440, %get3A_441] {strides = array<i32>} : memref<4x200x64xf32, #tpu.memory_space<vmem>>, vector<16xf32>,
          %scatter3A_443 = arith.constant 0 : i32
          %scatter3A_444 = arith.constant 0 : i32
          %scatter3A_445 = tpu.memref_slice %arg7[%select_n3A_227, %scatter3A_443, %scatter3A_444] : memref<2x3200x8xf32, #tpu.memory_space<vmem>> -> memref<1x3200x8xf32, #tpu.memory_space<vmem>>
          %scatter3A_446 = tpu.memref_squeeze %scatter3A_445 : memref<1x3200x8xf32, #tpu.memory_space<vmem>> -> memref<3200x8xf32, #tpu.memory_space<vmem>>
          tpu.vector_store_idx %scatter3A_446[%add3A_318, %broadcast_in_dim3A_280], %get3A_442 : memref<3200x8xf32, #tpu.memory_space<vmem>>[vector<16xi32>, vector<16xi32>], vector<16xf32>,
          %get3A_447 = arith.index_cast %rem3A_97 : i32 to index
          %get3A_448 = arith.index_cast %add3A_422 : i32 to index
          %get3A_449 = arith.constant 48 : index
          %get3A_450 = tpu.vector_load %arg6[%get3A_447, %get3A_448, %get3A_449] {strides = array<i32>} : memref<4x200x64xf32, #tpu.memory_space<vmem>>, vector<16xf32>,
          %scatter3A_451 = arith.constant 0 : i32
          %scatter3A_452 = arith.constant 0 : i32
          %scatter3A_453 = tpu.memref_slice %arg7[%select_n3A_227, %scatter3A_451, %scatter3A_452] : memref<2x3200x8xf32, #tpu.memory_space<vmem>> -> memref<1x3200x8xf32, #tpu.memory_space<vmem>>
          %scatter3A_454 = tpu.memref_squeeze %scatter3A_453 : memref<1x3200x8xf32, #tpu.memory_space<vmem>> -> memref<3200x8xf32, #tpu.memory_space<vmem>>
          tpu.vector_store_idx %scatter3A_454[%add3A_320, %broadcast_in_dim3A_280], %get3A_450 : memref<3200x8xf32, #tpu.memory_space<vmem>>[vector<16xi32>, vector<16xi32>], vector<16xf32>,
          %scan3A_455 = arith.constant 0 : i32
          scf.yield %scan3A_455 : i32
        }
        %scan3A_287 = arith.constant 50 : i32
        %jit3A_288 = arith.constant 2 : i32
        %eq3A_289 = arith.constant 0 : i32
        %eq3A_290 = arith.cmpi eq, %jit3A_288, %eq3A_289 : i32
        %jit3A_291 = arith.constant 1 : i32
        %select_n3A_292 = arith.select %eq3A_290, %jit3A_291, %jit3A_288 : i32
        %rem3A_293 = arith.remsi %sub3A_95, %select_n3A_292 : i32
        %ne3A_294 = arith.constant 0 : i32
        %ne3A_295 = arith.cmpi ne, %rem3A_293, %ne3A_294 : i32
        %lt3A_296 = arith.constant 0 : i32
        %lt3A_297 = arith.cmpi slt, %rem3A_293, %lt3A_296 : i32
        %lt3A_298 = arith.constant 0 : i32
        %lt3A_299 = arith.cmpi slt, %select_n3A_292, %lt3A_298 : i32
        %ne3A_300 = arith.xori %lt3A_297, %lt3A_299 : i1
        %and3A_301 = arith.andi %ne3A_300, %ne3A_295 : i1
        %add3A_302 = arith.addi %rem3A_293, %select_n3A_292 : i32
        %select_n3A_303 = arith.select %and3A_301, %add3A_302, %rem3A_293 : i32
        %eq3A_304 = arith.constant 1 : i32
        %eq3A_305 = arith.cmpi eq, %select_n3A_303, %eq3A_304 : i32
        %convert_element_type3A_306 = arith.extui %eq3A_305 : i1 to i32
        %cond3A_307 = arith.constant 0 : i32
        %cond3A_308 = arith.cmpi ne, %convert_element_type3A_306, %cond3A_307 : i32
        scf.if %cond3A_308 {
          %jit3A_309 = arith.constant 2 : i32
          %eq3A_310 = arith.constant 0 : i32
          %eq3A_311 = arith.cmpi eq, %jit3A_309, %eq3A_310 : i32
          %jit3A_312 = arith.constant 1 : i32
          %select_n3A_313 = arith.select %eq3A_311, %jit3A_312, %jit3A_309 : i32
          %rem3A_314 = arith.remsi %select_n3A, %select_n3A_313 : i32
          %ne3A_315 = arith.constant 0 : i32
          %ne3A_316 = arith.cmpi ne, %rem3A_314, %ne3A_315 : i32
          %lt3A_317 = arith.constant 0 : i32
          %lt3A_318 = arith.cmpi slt, %rem3A_314, %lt3A_317 : i32
          %lt3A_319 = arith.constant 0 : i32
          %lt3A_320 = arith.cmpi slt, %select_n3A_313, %lt3A_319 : i32
          %ne3A_321 = arith.xori %lt3A_318, %lt3A_320 : i1
          %and3A_322 = arith.andi %ne3A_321, %ne3A_316 : i1
          %add3A_323 = arith.addi %rem3A_314, %select_n3A_313 : i32
          %select_n3A_324 = arith.select %and3A_322, %add3A_323, %rem3A_314 : i32
          %mul3A_325 = arith.constant 8 : i32
          %mul3A_326 = arith.muli %select_n3A, %mul3A_325 : i32
          %add3A_327 = arith.addi %mul3A_4, %mul3A_326 : i32
          %jit3A_328 = arith.constant 2 : i32
          %eq3A_329 = arith.constant 0 : i32
          %eq3A_330 = arith.cmpi eq, %jit3A_328, %eq3A_329 : i32
          %jit3A_331 = arith.constant 1 : i32
          %select_n3A_332 = arith.select %eq3A_330, %jit3A_331, %jit3A_328 : i32
          %rem3A_333 = arith.remsi %select_n3A, %select_n3A_332 : i32
          %ne3A_334 = arith.constant 0 : i32
          %ne3A_335 = arith.cmpi ne, %rem3A_333, %ne3A_334 : i32
          %lt3A_336 = arith.constant 0 : i32
          %lt3A_337 = arith.cmpi slt, %rem3A_333, %lt3A_336 : i32
          %lt3A_338 = arith.constant 0 : i32
          %lt3A_339 = arith.cmpi slt, %select_n3A_332, %lt3A_338 : i32
          %ne3A_340 = arith.xori %lt3A_337, %lt3A_339 : i1
          %and3A_341 = arith.andi %ne3A_340, %ne3A_335 : i1
          %add3A_342 = arith.addi %rem3A_333, %select_n3A_332 : i32
          %select_n3A_343 = arith.select %and3A_341, %add3A_342, %rem3A_333 : i32
          %dma_start3A_344 = arith.constant 0 : i32
          %dma_start3A_345 = arith.constant 0 : i32
          %dma_start3A_346 = tpu.memref_slice %arg7[%select_n3A_324, %dma_start3A_344, %dma_start3A_345] : memref<2x3200x8xf32, #tpu.memory_space<vmem>> -> memref<1x3200x8xf32, #tpu.memory_space<vmem>>
          %dma_start3A_347 = tpu.memref_squeeze %dma_start3A_346 : memref<1x3200x8xf32, #tpu.memory_space<vmem>> -> memref<3200x8xf32, #tpu.memory_space<vmem>>
          %dma_start3A_348 = arith.constant 0 : i32
          %dma_start3A_349 = tpu.memref_slice %arg4[%dma_start3A_348, %add3A_327] : memref<3200x4096xf32, #tpu.memory_space<hbm>> -> memref<3200x8xf32, #tpu.memory_space<hbm>>
          %dma_start3A_350 = tpu.memref_slice %arg11[%select_n3A_343] : memref<2x!tpu.dma_semaphore, #tpu.memory_space<semaphore_mem>> -> memref<1x!tpu.dma_semaphore, #tpu.memory_space<semaphore_mem>>
          %dma_start3A_351 = tpu.memref_squeeze %dma_start3A_350 : memref<1x!tpu.dma_semaphore, #tpu.memory_space<semaphore_mem>> -> memref<!tpu.dma_semaphore, #tpu.memory_space<semaphore_mem>>
          %dma_start3A_352 = arith.constant 0 : i32
          %dma_start3A_353 = tpu.memref_slice %arg4[%dma_start3A_352, %add3A_327] : memref<3200x4096xf32, #tpu.memory_space<hbm>> -> memref<3200x8xf32, #tpu.memory_space<hbm>>
          %dma_start3A_354 = arith.constant 0 : i32
          %dma_start3A_355 = arith.constant 0 : i32
          %dma_start3A_356 = tpu.memref_slice %arg7[%select_n3A_324, %dma_start3A_354, %dma_start3A_355] : memref<2x3200x8xf32, #tpu.memory_space<vmem>> -> memref<1x3200x8xf32, #tpu.memory_space<vmem>>
          %dma_start3A_357 = tpu.memref_squeeze %dma_start3A_356 : memref<1x3200x8xf32, #tpu.memory_space<vmem>> -> memref<3200x8xf32, #tpu.memory_space<vmem>>
          tpu.enqueue_dma source(%dma_start3A_357 : memref<3200x8xf32, #tpu.memory_space<vmem>>) target(%dma_start3A_353 : memref<3200x8xf32, #tpu.memory_space<hbm>>) target_semaphore(%dma_start3A_351 : memref<!tpu.dma_semaphore, #tpu.memory_space<semaphore_mem>>)
        } else {
        }
      } else {
      }
      %lt3A_89 = arith.constant 32 : i32
      %lt3A_90 = arith.cmpi slt, %scan3A_75, %lt3A_89 : i32
      %convert_element_type3A_91 = arith.extui %lt3A_90 : i1 to i32
      %cond3A_92 = arith.constant 0 : i32
      %cond3A_93 = arith.cmpi ne, %convert_element_type3A_91, %cond3A_92 : i32
      scf.if %cond3A_93 {
        %mul3A_95 = arith.constant 200 : i32
        %mul3A_96 = arith.muli %scan3A_75, %mul3A_95 : i32
        %add3A_97 = arith.constant 0 : i32
        %add3A_98 = arith.addi %mul3A_96, %add3A_97 : i32
        %mul3A_99 = arith.constant 200 : i32
        %mul3A_100 = arith.muli %scan3A_75, %mul3A_99 : i32
        %add3A_101 = arith.constant 128 : i32
        %add3A_102 = arith.addi %mul3A_100, %add3A_101 : i32
        %dma_start3A_103 = arith.constant 0 : i32
        %dma_start3A_104 = arith.constant 0 : i32
        %dma_start3A_105 = arith.constant 0 : i32
        %dma_start3A_106 = tpu.memref_slice %arg6[%rem3A_77, %dma_start3A_104, %dma_start3A_105] : memref<4x200x64xf32, #tpu.memory_space<vmem>> -> memref<1x128x64xf32, #tpu.memory_space<vmem>>
        %dma_start3A_107 = tpu.memref_squeeze %dma_start3A_106 : memref<1x128x64xf32, #tpu.memory_space<vmem>> -> memref<128x64xf32, #tpu.memory_space<vmem>>
        %dma_start3A_108 = tpu.memref_slice %arg5[%dma_start3A_103, %add3A_98] : memref<4x6400xi32, #tpu.memory_space<vmem>> -> memref<1x128xi32, #tpu.memory_space<vmem>>
        %dma_start3A_109 = tpu.memref_squeeze %dma_start3A_108 : memref<1x128xi32, #tpu.memory_space<vmem>> -> memref<128xi32, #tpu.memory_space<vmem>>
        %dma_start3A_110 = arith.constant 0 : i32
        %dma_start3A_111 = arith.constant 0 : i32
        %dma_start3A_112 = tpu.memref_slice %arg3[%dma_start3A_110, %dma_start3A_111] : memref<400000x64xf32, #tpu.memory_space<hbm>> -> memref<400000x64xf32, #tpu.memory_space<hbm>>
        %dma_start3A_113 = tpu.memref_slice %arg9[%rem3A_77] : memref<4x!tpu.dma_semaphore, #tpu.memory_space<semaphore_mem>> -> memref<1x!tpu.dma_semaphore, #tpu.memory_space<semaphore_mem>>
        %dma_start3A_114 = tpu.memref_squeeze %dma_start3A_113 : memref<1x!tpu.dma_semaphore, #tpu.memory_space<semaphore_mem>> -> memref<!tpu.dma_semaphore, #tpu.memory_space<semaphore_mem>>
        tpu.enqueue_indirect_dma source(%dma_start3A_112 : memref<400000x64xf32, #tpu.memory_space<hbm>>) target(%dma_start3A_107 : memref<128x64xf32, #tpu.memory_space<vmem>>) offsets(%dma_start3A_109 : memref<128xi32, #tpu.memory_space<vmem>>) semaphore(%dma_start3A_114 : memref<!tpu.dma_semaphore, #tpu.memory_space<semaphore_mem>>)
        %dma_start3A_115 = arith.constant 0 : i32
        %dma_start3A_116 = arith.constant 128 : i32
        %dma_start3A_117 = arith.constant 0 : i32
        %dma_start3A_118 = tpu.memref_slice %arg6[%rem3A_77, %dma_start3A_116, %dma_start3A_117] : memref<4x200x64xf32, #tpu.memory_space<vmem>> -> memref<1x72x64xf32, #tpu.memory_space<vmem>>
        %dma_start3A_119 = tpu.memref_squeeze %dma_start3A_118 : memref<1x72x64xf32, #tpu.memory_space<vmem>> -> memref<72x64xf32, #tpu.memory_space<vmem>>
        %dma_start3A_120 = tpu.memref_slice %arg5[%dma_start3A_115, %add3A_102] : memref<4x6400xi32, #tpu.memory_space<vmem>> -> memref<1x72xi32, #tpu.memory_space<vmem>>
        %dma_start3A_121 = tpu.memref_squeeze %dma_start3A_120 : memref<1x72xi32, #tpu.memory_space<vmem>> -> memref<72xi32, #tpu.memory_space<vmem>>
        %dma_start3A_122 = arith.constant 0 : i32
        %dma_start3A_123 = arith.constant 0 : i32
        %dma_start3A_124 = tpu.memref_slice %arg3[%dma_start3A_122, %dma_start3A_123] : memref<400000x64xf32, #tpu.memory_space<hbm>> -> memref<400000x64xf32, #tpu.memory_space<hbm>>
        %dma_start3A_125 = tpu.memref_slice %arg9[%rem3A_77] : memref<4x!tpu.dma_semaphore, #tpu.memory_space<semaphore_mem>> -> memref<1x!tpu.dma_semaphore, #tpu.memory_space<semaphore_mem>>
        %dma_start3A_126 = tpu.memref_squeeze %dma_start3A_125 : memref<1x!tpu.dma_semaphore, #tpu.memory_space<semaphore_mem>> -> memref<!tpu.dma_semaphore, #tpu.memory_space<semaphore_mem>>
        tpu.enqueue_indirect_dma source(%dma_start3A_124 : memref<400000x64xf32, #tpu.memory_space<hbm>>) target(%dma_start3A_119 : memref<72x64xf32, #tpu.memory_space<vmem>>) offsets(%dma_start3A_121 : memref<72xi32, #tpu.memory_space<vmem>>) semaphore(%dma_start3A_126 : memref<!tpu.dma_semaphore, #tpu.memory_space<semaphore_mem>>)
      } else {
      }
      %scan3A_94 = arith.constant 0 : i32
      scf.yield %scan3A_94 : i32
    }
    %scan3A_38 = arith.constant 36 : i32
    %add3A_39 = arith.constant 112 : i32
    %add3A_40 = arith.addi %mul3A_4, %add3A_39 : i32
    %dma_wait3A_41 = arith.constant 0 : i32
    %dma_wait3A_42 = arith.constant 0 : i32
    %dma_wait3A_43 = arith.constant 0 : i32
    %dma_wait3A_44 = arith.constant 0 : i32
    %dma_wait3A_45 = tpu.memref_slice %arg7[%dma_wait3A_41, %dma_wait3A_43, %dma_wait3A_44] : memref<2x3200x8xf32, #tpu.memory_space<vmem>> -> memref<1x3200x8xf32, #tpu.memory_space<vmem>>
    %dma_wait3A_46 = tpu.memref_squeeze %dma_wait3A_45 : memref<1x3200x8xf32, #tpu.memory_space<vmem>> -> memref<3200x8xf32, #tpu.memory_space<vmem>>
    %dma_wait3A_47 = arith.constant 0 : i32
    %dma_wait3A_48 = tpu.memref_slice %arg4[%dma_wait3A_47, %add3A_40] : memref<3200x4096xf32, #tpu.memory_space<hbm>> -> memref<3200x8xf32, #tpu.memory_space<hbm>>
    %dma_wait3A_49 = tpu.memref_slice %arg11[%dma_wait3A_42] : memref<2x!tpu.dma_semaphore, #tpu.memory_space<semaphore_mem>> -> memref<1x!tpu.dma_semaphore, #tpu.memory_space<semaphore_mem>>
    %dma_wait3A_50 = tpu.memref_squeeze %dma_wait3A_49 : memref<1x!tpu.dma_semaphore, #tpu.memory_space<semaphore_mem>> -> memref<!tpu.dma_semaphore, #tpu.memory_space<semaphore_mem>>
    %dma_wait3A_51 = arith.constant 0 : i32
    %dma_wait3A_52 = tpu.memref_slice %arg4[%dma_wait3A_51, %add3A_40] : memref<3200x4096xf32, #tpu.memory_space<hbm>> -> memref<3200x8xf32, #tpu.memory_space<hbm>>
    %dma_wait3A_53 = arith.constant 0 : i32
    %dma_wait3A_54 = arith.constant 0 : i32
    %dma_wait3A_55 = tpu.memref_slice %arg7[%dma_wait3A_41, %dma_wait3A_53, %dma_wait3A_54] : memref<2x3200x8xf32, #tpu.memory_space<vmem>> -> memref<1x3200x8xf32, #tpu.memory_space<vmem>>
    %dma_wait3A_56 = tpu.memref_squeeze %dma_wait3A_55 : memref<1x3200x8xf32, #tpu.memory_space<vmem>> -> memref<3200x8xf32, #tpu.memory_space<vmem>>
    tpu.wait_dma2 semaphore(%dma_wait3A_50 : memref<!tpu.dma_semaphore, #tpu.memory_space<semaphore_mem>>) src(%dma_wait3A_56 : memref<3200x8xf32, #tpu.memory_space<vmem>>) dst(%dma_wait3A_52 : memref<3200x8xf32, #tpu.memory_space<hbm>>)
    %add3A_57 = arith.constant 120 : i32
    %add3A_58 = arith.addi %mul3A_4, %add3A_57 : i32
    %dma_wait3A_59 = arith.constant 1 : i32
    %dma_wait3A_60 = arith.constant 1 : i32
    %dma_wait3A_61 = arith.constant 0 : i32
    %dma_wait3A_62 = arith.constant 0 : i32
    %dma_wait3A_63 = tpu.memref_slice %arg7[%dma_wait3A_59, %dma_wait3A_61, %dma_wait3A_62] : memref<2x3200x8xf32, #tpu.memory_space<vmem>> -> memref<1x3200x8xf32, #tpu.memory_space<vmem>>
    %dma_wait3A_64 = tpu.memref_squeeze %dma_wait3A_63 : memref<1x3200x8xf32, #tpu.memory_space<vmem>> -> memref<3200x8xf32, #tpu.memory_space<vmem>>
    %dma_wait3A_65 = arith.constant 0 : i32
    %dma_wait3A_66 = tpu.memref_slice %arg4[%dma_wait3A_65, %add3A_58] : memref<3200x4096xf32, #tpu.memory_space<hbm>> -> memref<3200x8xf32, #tpu.memory_space<hbm>>
    %dma_wait3A_67 = tpu.memref_slice %arg11[%dma_wait3A_60] : memref<2x!tpu.dma_semaphore, #tpu.memory_space<semaphore_mem>> -> memref<1x!tpu.dma_semaphore, #tpu.memory_space<semaphore_mem>>
    %dma_wait3A_68 = tpu.memref_squeeze %dma_wait3A_67 : memref<1x!tpu.dma_semaphore, #tpu.memory_space<semaphore_mem>> -> memref<!tpu.dma_semaphore, #tpu.memory_space<semaphore_mem>>
    %dma_wait3A_69 = arith.constant 0 : i32
    %dma_wait3A_70 = tpu.memref_slice %arg4[%dma_wait3A_69, %add3A_58] : memref<3200x4096xf32, #tpu.memory_space<hbm>> -> memref<3200x8xf32, #tpu.memory_space<hbm>>
    %dma_wait3A_71 = arith.constant 0 : i32
    %dma_wait3A_72 = arith.constant 0 : i32
    %dma_wait3A_73 = tpu.memref_slice %arg7[%dma_wait3A_59, %dma_wait3A_71, %dma_wait3A_72] : memref<2x3200x8xf32, #tpu.memory_space<vmem>> -> memref<1x3200x8xf32, #tpu.memory_space<vmem>>
    %dma_wait3A_74 = tpu.memref_squeeze %dma_wait3A_73 : memref<1x3200x8xf32, #tpu.memory_space<vmem>> -> memref<3200x8xf32, #tpu.memory_space<vmem>>
    tpu.wait_dma2 semaphore(%dma_wait3A_68 : memref<!tpu.dma_semaphore, #tpu.memory_space<semaphore_mem>>) src(%dma_wait3A_74 : memref<3200x8xf32, #tpu.memory_space<vmem>>) dst(%dma_wait3A_70 : memref<3200x8xf32, #tpu.memory_space<hbm>>)
    return
  }
}

</mosaic_0001>

<sc_bundles>
// kernel: kernel.3.cloned.1.call-start
scs
__scs_entry_jumppad:
0x0: {  	(pc) =	sbr.rel $0x88, $3  }
0x1: {  	(tag) =	ssettag $0x0;
	lr =	simm.s32 $0x1  }
0x2: {  	[smem:$0x3F9F] =	sst lr;
	_ =	strace $0xD0000000  }
0x3: {  	_ = 	snop  }
0x4: {  	_ = 	snop  }
0x5: {  	_ = 	snop  }
0x6: {  	_ = 	snop  }
0x7: {  	_ = 	snop  }
__scs_overlays_trampoline_lowered:
0x8: {  	[smem:$0x3FAE] =	sst s0  }
0x9: {  	[smem:$0x3FAF] =	sst s1  }
0xa: {  	[smem:$0x3FB0] =	sst s2  }
0xb: {  	[smem:$0x3FB1] =	sst s3  }
0xc: {  	[smem:$0x3FB2] =	sst s4  }
0xd: {  	[smem:$0x3FB3] =	sst s5  }
0xe: {  	[smem:$0x3FB4] =	sst s6  }
0xf: {  	[smem:$0x3FB5] =	sst s7  }
0x10: {  	[smem:$0x3FB6] =	sst s8  }
0x11: {  	[smem:$0x3FB7] =	sst s9;
	s0 =	simm.s32 @!p0 $0x0  }
0x12: {  	s1 =	sld [smem:$0x3F9D];
	s0 =	simm.s32 @p0 $0x1  }
0x13: {  	[smem:$0x3FB8] =	sst s0;
	s0 =	simm.s32 @!p1 $0x0  }
0x14: {  	s2 =	sld [smem:$0x3F9C];
	s0 =	simm.s32 @p1 $0x1  }
0x15: {  	[smem:$0x3FB9] =	sst s0;
	s0 =	simm.s32 @!p2 $0x0  }
0x16: {  	s3 =	sld [smem:$0x3FDB];
	s0 =	simm.s32 @p2 $0x1  }
0x17: {  	s4 =	simm.s32 $0x1BF5;
	[smem:$0x3FBB] =	sst s0  }
0x18: {  	s0 =	sld [smem:$0x3F9E];
	_ =	swait.ge [sflag:s4], $0x0  }
0x19: {  	s7 =	sld [smem:$0x3F9F]  }
0x1a: {  	s8 =	sadd.s32 $0xFFFFE003, lr  }
0x1b: {  	s9 =	sadd.s32 $0xFFFFFEF7, lr;
	s5 =	simm.s32 $0xFFFFFFFF;
	p2 =	slt.u32 s8, $0xFFFFF086  }
0x1c: {  	p1 =	slt.u32 s9, $0xF7A;
	s5 =	simm.s32 @!p2 $0x0  }
0x1d: {  	s5 =	simm.s32 @p1 $0x1;
	p0 =	seq.s32 s7, s2  }
0x1e: {  	s7 =	smul.u32 @!p0 $0xF7A, s2;
	p2 =	seq.s32 @!p0 s5, $0x0  }
0x1f: {  	s9 =	smul.u32 $0xF7A, s1;
	s8 =	simm.s32 @!p0 $0x1BF5;
	p2 =	por !p2, p0  }
0x20: {  	[sflag:s8] =	ssyncset.s32 @!p0 $0xFFFFF086;
	s6 =	sadd.s32 @!p0 s3, s7;
	s7 =	simm.s32 @!p0 $0x108  }
0x21: {  	s3 =	sadd.s32 s3, s9;
	s6 =	sadd.s32 @!p0 $0x88, s6;
	s7 =	simm.s32 @p2 $0x1082  }
0x22: {  	[simem:s7], [sflag:s8] =	dma.local @!p0 [hbm:s6], $0xF7A  }
0x23: {  	s9 =	sor.u32 $0xD0000000, s2;
	s6 =	simm.s32 $0x108;
	_ =	swait.ge @!p0 [sflag:s8], $0x0  }
0x24: {  	s3 =	sadd.s32 $0x88, s3;
	s6 =	simm.s32 @!p1 $0x1082;
	[sflag:s4] =	ssyncset.s32 $0xFFFFF086  }
0x25: {  	[simem:s6], [sflag:s4] =	dma.local [hbm:s3], $0xF7A  }
0x26: {  	[smem:$0x3F9F] =	sst s1;
	(tag) =	ssettag s2;
	_ =	strace s9  }
0x27: {  	s1 =	sld [smem:$0x3FAF]  }
0x28: {  	s2 =	sld [smem:$0x3FB0]  }
0x29: {  	s4 =	sld [smem:$0x3FB2]  }
0x2a: {  	p0 =	seq.s32 s5, $0x0;
	s5 =	sld [smem:$0x3FB3]  }
0x2b: {  	s6 =	sld [smem:$0x3FB4]  }
0x2c: {  	s7 =	sld [smem:$0x3FB5]  }
0x2d: {  	s3 =	simm.s32 $0x108;
	s8 =	sld [smem:$0x3FB6]  }
0x2e: {  	s3 =	simm.s32 @!p0 $0x1082;
	s9 =	sld [smem:$0x3FB7]  }
0x2f: {  	lr =	sadd.s32 s0, s3;
	s0 =	sld [smem:$0x3FAE]  }
0x30: {  	s3 =	sld [smem:$0x3FB1]  }
0x31: {  	[smem:$0x3FBA] =	sst s10  }
0x32: {  	s10 =	sld [smem:$0x3FB8];
	_ =	sdelay $0x3  }
0x33: {  	p0 =	seq.s32 s10, $0x1;
	s10 =	sld [smem:$0x3FBA];
	_ =	sdelay $0x3  }
0x34: {  	[smem:$0x3FBA] =	sst s10  }
0x35: {  	s10 =	sld [smem:$0x3FB9];
	_ =	sdelay $0x3  }
0x36: {  	p1 =	seq.s32 s10, $0x1;
	s10 =	sld [smem:$0x3FBA];
	_ =	sdelay $0x3  }
0x37: {  	[smem:$0x3FBA] =	sst s10  }
0x38: {  	s10 =	sld [smem:$0x3FBB]  }
0x39: {  	_ = 	snop;
	(pc) =	sbr.ind lr, $3  }
0x3a: {  	_ = 	snop  }
0x3b: {  	_ = 	snop  }
0x3c: {  	p2 =	seq.s32 s10, $0x1;
	s10 =	sld [smem:$0x3FBA]  }
0x3d: {  	_ =	shalt  }
0x3e: {  	_ =	shalt  }
0x3f: {  	_ =	shalt  }
0x40: {  	_ =	shalt  }
0x41: {  	_ =	shalt  }
0x42: {  	_ =	shalt  }
0x43: {  	_ =	shalt  }
0x44: {  	_ =	shalt  }
0x45: {  	_ =	shalt  }
0x46: {  	_ =	shalt  }
0x47: {  	_ =	shalt  }
0x48: {  	_ =	shalt  }
0x49: {  	_ =	shalt  }
0x4a: {  	_ =	shalt  }
0x4b: {  	_ =	shalt  }
0x4c: {  	_ =	shalt  }
0x4d: {  	_ =	shalt  }
0x4e: {  	_ =	shalt  }
0x4f: {  	_ =	shalt  }
0x50: {  	_ =	shalt  }
0x51: {  	_ =	shalt  }
0x52: {  	_ =	shalt  }
0x53: {  	_ =	shalt  }
0x54: {  	_ =	shalt  }
0x55: {  	_ =	shalt  }
0x56: {  	_ =	shalt  }
0x57: {  	_ =	shalt  }
0x58: {  	_ =	shalt  }
0x59: {  	_ =	shalt  }
0x5a: {  	_ =	shalt  }
0x5b: {  	_ =	shalt  }
0x5c: {  	_ =	shalt  }
0x5d: {  	_ =	shalt  }
0x5e: {  	_ =	shalt  }
0x5f: {  	_ =	shalt  }
0x60: {  	_ =	shalt  }
0x61: {  	_ =	shalt  }
0x62: {  	_ =	shalt  }
0x63: {  	_ =	shalt  }
0x64: {  	_ =	shalt  }
0x65: {  	_ =	shalt  }
0x66: {  	_ =	shalt  }
0x67: {  	_ =	shalt  }
0x68: {  	_ =	shalt  }
0x69: {  	_ =	shalt  }
0x6a: {  	_ =	shalt  }
0x6b: {  	_ =	shalt  }
0x6c: {  	_ =	shalt  }
0x6d: {  	_ =	shalt  }
0x6e: {  	_ =	shalt  }
0x6f: {  	_ =	shalt  }
0x70: {  	_ =	shalt  }
0x71: {  	_ =	shalt  }
0x72: {  	_ =	shalt  }
0x73: {  	_ =	shalt  }
0x74: {  	_ =	shalt  }
0x75: {  	_ =	shalt  }
0x76: {  	_ =	shalt  }
0x77: {  	_ =	shalt  }
0x78: {  	_ =	shalt  }
0x79: {  	_ =	shalt  }
0x7a: {  	_ =	shalt  }
0x7b: {  	_ =	shalt  }
0x7c: {  	_ =	shalt  }
0x7d: {  	_ =	shalt  }
0x7e: {  	_ =	shalt  }
0x7f: {  	_ =	shalt  }
0x80: {  	_ =	shalt  }
0x81: {  	_ =	shalt  }
0x82: {  	_ =	shalt  }
0x83: {  	_ =	shalt  }
0x84: {  	_ =	shalt  }
0x85: {  	_ =	shalt  }
0x86: {  	_ =	shalt  }
0x87: {  	_ =	shalt  }
.Lfunc_end0:
.L_simem_size_0:
called_computation_lowered:
.L_overlay_start_0:
0x88: {  	s2 =	sld [smem:$0x3FD9]  }
0x89: {  	s3 =	sld [smem:$0x3FFE];
	_ =	sdelay $0x1  }
0x8a: {  	s1 =	srdreg.scid  }
0x8b: {  	s0 =	sand.u32 $0x1, s1  }
0x8c: {  	s17 =	sshll.u32 s0, $0xA;
	s2 =	sadd.s32 s3, s2  }
0x8d: {  	s2 =	sadd.s32 s2, s17  }
0x8e: {  	[smem:$0x3FC6] =	sst s2  }
0x8f: {  	_ = 	snop  }
0x90: {  	s2 =	sld [smem:$0x3FD0];
	(tm) =	ssettm $0x1  }
0x91: {  	s18 =	sld [smem:$0x3FFB];
	_ =	sdelay $0x3  }
0x92: {  	_ =	strace s18  }
0x93: {  	s3 =	sld [smem:$0x3FFC];
	_ =	sdelay $0x3  }
0x94: {  	_ =	strace s3  }
0x95: {  	s3 =	sld [smem:$0x3FFD];
	_ =	sdelay $0x3  }
0x96: {  	_ =	strace s3  }
0x97: {  	_ =	strace $0x8FFFFFFF  }
0x98: {  	s19 =	sld [smem:$0x3FDB];
	_ =	sdelay $0x1  }
0x99: {  	s4 =	simm.s32 $_scs_section_size  }
0x9a: {  	s5 =	simm.s32 $_size__tile_overlayer_lowered;
	s6 =	simm.s32 $_tile_overlayer_lowered  }
0x9b: {  	s22 =	simm.s32 $0x1BFF;
	s21 =	sshll.u32 s6, $0x1;
	s3 =	sadd.s32 s4, s19  }
0x9c: {  	s7 =	simm.s32 $0x0;
	s20 =	sshll.u32 s5, $0x1;
	s5 =	sadd.s32 s21, s3  }
0x9d: {  	[timem:s7], [sflag:s22] =	dma.local [hbm:s5], s20  }
0x9e: {  	_ =	swait.ge [sflag:s22], s20  }
0x9f: {  	s4 =	ssub.s32 $0x0, s20;
	[sflag:s22] =	ssyncset.done $0x0  }
0xa0: {  	[sflag:s22] =	ssyncadd.s32 s4;
	_ =	sdelay $0x1  }
0xa1: {  	s23 =	simm.s32 $0x1B8B  }
0xa2: {  	_ =	swait.ge [sflag:s23], $0x1  }
0xa3: {  	[sflag:s23] =	ssyncset.done $0x0  }
0xa4: {  	s25 =	simm.s32 $0x1B8E;
	s24 =	sld [smem:$0x3FFE];
	[sflag:s23] =	ssyncadd.s32 $0xFFFFFFFF  }
0xa5: {  	s26 =	simm.s32 $execute0_lowered;
	[smem:$0x3FD2] =	sst s25  }
0xa6: {  	s5 =	sshll.u32 s26, $0x1;
	_ =	strace $0x80000046;
	[dreg:$0x1] =	wrdreg $0xFFFFFFFF  }
0xa7: {  	s28 =	simm.s32 $_size_execute0_lowered;
	s3 =	sadd.s32 s3, s5;
	[dreg:$0x0] =	wrdreg $0x0  }
0xa8: {  	s5 =	sshll.u32 s28, $0x1;
	[dreg:$0x2] =	wrdreg s3  }
0xa9: {  	[dreg:$0x3] =	wrdreg s5  }
0xaa: {  	[dreg:$0x4] =	wrdreg $0xC0  }
0xab: {  	_ =	task [dreg:s7], $0x5FFFF  }
0xac: {  	[dreg:$0x1] =	wrdreg $0xFFFFFFFF  }
0xad: {  	[dreg:$0x0] =	wrdreg $0x60  }
0xae: {  	[dreg:$0x2] =	wrdreg s2  }
0xaf: {  	[dreg:$0x3] =	wrdreg s24  }
0xb0: {  	[dreg:$0x4] =	wrdreg $0x9  }
0xb1: {  	_ =	task.clear_ibuf [dreg:s7], $0x5FFFF;
	_ =	strace $0x90000046  }
0xb2: {  	s29 =	simm.s32 $0x9;
	_ =	strace $0x80000048  }
0xb3: {  	_ =	swait.ge [sflag:s29], $0x1  }
0xb4: {  	[sflag:s29] =	ssyncadd.s32 $0xFFFFFFFF  }
0xb5: {  	_ =	strace $0x90000048  }
0xb6: {  	_ =	sfence  }
0xb7: {  	s30 =	sld [smem:$0x0];
	_ =	sdelay $0x2  }
0xb8: {  	s31 =	sshll.u32 s1, $0xD;
	s1 =	sshrl.u32 s1, $0x2  }
0xb9: {  	s3 =	sand.u32 $0x4000, s31;
	s1 =	sadd.s32 s1, s30  }
0xba: {  	s0 =	sor.u32 s3, s0;
	s1 =	sshll.u32 s1, $0x11  }
0xbb: {  	s0 =	sor.u32 s1, s0  }
0xbc: {  	s0 =	sadd.s32 $0x8F2B, s0  }
0xbd: {  	[sflag:s0] =	ssyncadd.remote.s32 $0x1  }
0xbe: {  	_ =	sfence.sel $0xFFFF  }
0xbf: {  	[dreg:$0x0] =	wrdreg $0xFFFFFFFF;
	(pc) =	sbr.abs _section_cstart, $3  }
0xc0: {  	[dreg:$0x1] =	wrdreg $0xFFFFFFFF  }
0xc1: {  	_ =	task.clear_ibuf [dreg:s7], $0x2FFFF;
	_ =	strace $0x9FFFFFFF  }
0xc2: {  	(tm) =	ssettm $0x7FFFFFFF  }
0xc3: {  	_ =	shalt  }
tec
execute0_lowered:
.L_overlay_start_1:
0x0: {  	(tag) =	ssettag $0x1  }
0x1: {  	s4 =	rddreg [dreg:$0x0]  }
0x2: {  	s5 =	rddreg [dreg:$0x1]  }
0x3: {  	s0 =	rddreg [dreg:$0x2]  }
0x4: {  	s2 =	simm.s32 $0x0;
	s3 =	srdreg.scid;
	s1 =	stileid.u32  }
0x5: {  	s9 =	simm.s32 $0x1;
	s10 =	simm.s32 $0x80;
	s11 =	simm.s32 $0x48  }
0x6: {  	s12 =	simm.s32 $0xA;
	s13 =	simm.s32 $0xB;
	s14 =	simm.s32 $0x0  }
0x7: {  	[smem:$0x7FF] =	sst s2;
	s3 =	sand.u32 $0x1, s3;
	s6 =	sshll.u32 s1, $0x1  }
.Ltmp0:
0x8: {  	_ =	strace $0x80000047;
	s6 =	sor.u32 s3, s6;
	(pc) =	sbr.rel .LBB2_1-.Ltmp0, $4  }
0x9: {  	v0 =	vlaneseq.u32;
	s8 =	ssub.s32 $0x2, s3;
	s7 =	sshll.u32 s6, $0x4;
	s6 =	smul.u32 $0x320, s6  }
0xa: {  	v0 =	vmul.u32 $0x8, v0;
	s3 =	sadd.s32 $0x61AE00, s5;
	s31 =	sshrl.u32 s8, $0x1;
	s5 =	sadd.s32 s7, s5  }
0xb: {  	s7 =	ssub.s32 s8, s31;
	s8 =	simm.s32 $0x32000;
	s4 =	sadd.s32 s4, s6  }
0xc: {  	v1 =	vor.u32 $0x180, v0;
	v2 =	vor.u32 $0x100, v0;
	v3 =	vor.u32 $0x80, v0;
	s5 =	sadd.s32 $0x600, s5;
	s6 =	smax.u32 s7, $0x1;
	s7 =	simm.s32 $0x1900  }
.LBB2_10:
0xd: {  	s14 =	sadd.s32 $0x1, s14  }
0xe: {  	_ =	swait.ge [sflag:s12], $0x6400;
	p0 =	sne.s32 s14, s6  }
.Ltmp1:
0xf: {  	[sflag:s12] =	ssyncset.done $0x0;
	(pc) =	sbr.rel @!p0 .LBB2_11-.Ltmp1, $4  }
0x10: {  	[sflag:s12] =	ssyncadd.s32 $0xFFFF9C00  }
0x11: {  	_ =	swait.ge [sflag:s13], $0x6400  }
0x12: {  	[sflag:s13] =	ssyncset.done $0x0  }
0x13: {  	[sflag:s13] =	ssyncadd.s32 $0xFFFF9C00  }
.LBB2_1:
0x14: {  	[tilespmem:s2], [sflag:$0x1] =	stream.strided.gather [hbm4b:s4+s7], $0x6400, s8, s7, $0x38;
	[tilespmem:$0x1F400] =	vst v63  }
0x15: {  	_ =	swait.ge [sflag:s9], $0x6400  }
0x16: {  	[sflag:s9] =	ssyncset.done $0x0  }
0x17: {  	s15 =	simm.s32 $0x0;
	[sflag:s9] =	ssyncadd.s32 $0xFFFF9C00  }
0x18: {  	v5 =	vld [tilespmem:s15+$0x1900]  }
0x19: {  	s16 =	simm.s32 $0x40;
	v4 =	vld [tilespmem:s15+$0x3200]  }
.LBB2_2:
0x1a: {  	p0 =	sne.s32 s16, $0x63C0;
	v6 =	vld [tilespmem:s15+$0x4B00];
	_ =	sdelay $0x1  }
.Ltmp2:
0x1b: {  	(pc) =	sbr.rel @p0 .LBB2_2-.Ltmp2, $4  }
0x1c: {  	v5 =	vadd.s32 $0x186A0, v5  }
0x1d: {  	s17 =	sshra.s32 s16, $0x2;
	[tilespmem:s15+$0x1900] =	vst v5;
	v4 =	vadd.s32 $0x30D40, v4  }
0x1e: {  	v5 =	vld [tilespmem:s17+$0x1900];
	[tilespmem:s15+$0x3200] =	vst v4;
	v6 =	vadd.s32 $0x493E0, v6  }
0x1f: {  	s16 =	sadd.s32 $0x40, s16;
	v4 =	vld [tilespmem:s17+$0x3200];
	[tilespmem:s15+$0x4B00] =	vst v6;
	s15 =	smov.u32 s17  }
0x20: {  	v6 =	vld [tilespmem:s15+$0x4B00];
	_ =	sdelay $0x1  }
.Ltmp3:
0x21: {  	_ = 	snop;
	(pc) =	sbr.rel .LBB2_4-.Ltmp3, $4  }
0x22: {  	v5 =	vadd.s32 $0x186A0, v5  }
0x23: {  	[tilespmem:s15+$0x1900] =	vst v5;
	v4 =	vadd.s32 $0x30D40, v4  }
0x24: {  	[tilespmem:s15+$0x3200] =	vst v4;
	v4 =	vadd.s32 $0x493E0, v6  }
0x25: {  	s16 =	simm.s32 $0x0;
	[tilespmem:s15+$0x4B00] =	vst v4;
	s15 =	simm.s32 $0x0  }
.LBB2_8:
0x26: {  	s18 =	smul.u32 $0xC800, s17  }
0x27: {  	s19 =	smul.u32 $0x320, s16  }
0x28: {  	s18 =	sshrl.u32 s18, $0x2  }
0x29: {  	s31 =	sadd.s32 $0x2, s17;
	s19 =	sshra.s32 s19, $0x2;
	s20 =	sadd.s32 $0x6400, s18  }
0x2a: {  	[tilespmem:s20], [sflag:s31] =	stream.indirect.gather [hbm4b:s3+s10], $0x40, s19, s10, $0xb8;
	[tilespmem:$0x1F400] =	vst v63  }
0x2b: {  	s18 =	sadd.s32 $0x8400, s18;
	s19 =	sadd.s32 $0x80, s19  }
0x2c: {  	[tilespmem:s18], [sflag:s31] =	stream.indirect.gather [hbm4b:s3+s11], $0x40, s19, s11, $0xb8;
	[tilespmem:$0x1F400] =	vst v63  }
.LBB2_9:
0x2d: {  	s16 =	sadd.s32 $0x1, s16  }
0x2e: {  	p0 =	sne.s32 s16, $0x24  }
.Ltmp4:
0x2f: {  	_ = 	snop;
	(pc) =	sbr.rel @!p0 .LBB2_10-.Ltmp4, $2  }
0x30: {  	_ =	sdelay $0x2  }
0x31: {  	s15 =	sadd.s32 $0x1, s15  }
.LBB2_4:
0x32: {  	s17 =	sadd.s32 $0xFFFFFFFE, s16  }
0x33: {  	p0 =	sgt.u32 s17, $0x1F  }
0x34: {  	s18 =	sand.u32 @!p0 $0x3, s17  }
0x35: {  	s19 =	sadd.s32 @!p0 $0x2, s18  }
0x36: {  	_ =	swait.ge @!p0 [sflag:s19], $0x2000  }
0x37: {  	s17 =	smul.u32 @!p0 $0x320, s17;
	[sflag:s19] =	ssyncset.done @!p0 $0x0  }
0x38: {  	s20 =	smul.u32 @!p0 $0xC800, s18;
	[sflag:s19] =	ssyncadd.s32 @!p0 $0xFFFFE000  }
0x39: {  	s22 =	simm.s32 @!p0 $0x80;
	s18 =	sadd.s32 @!p0 $0x6, s18;
	_ =	swait.ge @!p0 [sflag:s19], $0x1200  }
0x3a: {  	s17 =	sshra.s32 @!p0 s17, $0x2;
	s20 =	sshrl.u32 @!p0 s20, $0x2;
	[sflag:s19] =	ssyncset.done @!p0 $0x0  }
0x3b: {  	s21 =	sadd.s32 @!p0 $0x1900, s17;
	[sflag:s19] =	ssyncadd.s32 @!p0 $0xFFFFEE00;
	s19 =	sadd.s32 @!p0 $0x6400, s20  }
0x3c: {  	[tilespmem:s19], [sflag:s18] =	stream.indirect.gather.add.f32 @!p0 [hbm:s3], $0x40, s21, s22, $0xb8;
	[tilespmem:$0x1F400] =	vst v63  }
0x3d: {  	s23 =	simm.s32 @!p0 $0x48;
	s20 =	sadd.s32 @!p0 $0x8400, s20;
	s21 =	sadd.s32 @!p0 $0x1980, s17  }
0x3e: {  	[tilespmem:s20], [sflag:s18] =	stream.indirect.gather.add.f32 @!p0 [hbm:s3], $0x40, s21, s23, $0xb8;
	[tilespmem:$0x1F400] =	vst v63  }
0x3f: {  	s21 =	sadd.s32 @!p0 $0x3200, s17  }
0x40: {  	[tilespmem:s19], [sflag:s18] =	stream.indirect.gather.add.f32 @!p0 [hbm:s3], $0x40, s21, s22, $0xb8;
	[tilespmem:$0x1F400] =	vst v63  }
0x41: {  	s21 =	sadd.s32 @!p0 $0x3280, s17  }
0x42: {  	[tilespmem:s20], [sflag:s18] =	stream.indirect.gather.add.f32 @!p0 [hbm:s3], $0x40, s21, s23, $0xb8;
	[tilespmem:$0x1F400] =	vst v63  }
0x43: {  	s21 =	sadd.s32 @!p0 $0x4B00, s17  }
0x44: {  	[tilespmem:s19], [sflag:s18] =	stream.indirect.gather.add.f32 @!p0 [hbm:s3], $0x40, s21, s22, $0xb8;
	[tilespmem:$0x1F400] =	vst v63  }
0x45: {  	s17 =	sadd.s32 @!p0 $0x4B80, s17  }
0x46: {  	[tilespmem:s20], [sflag:s18] =	stream.indirect.gather.add.f32 @!p0 [hbm:s3], $0x40, s17, s23, $0xb8;
	[tilespmem:$0x1F400] =	vst v63  }
0x47: {  	p0 =	slt.u32 s16, $0x4  }
.Ltmp5:
0x48: {  	_ = 	snop;
	(pc) =	sbr.rel @p0 .LBB2_8-.Ltmp5, $2  }
0x49: {  	_ =	sdelay $0x2  }
0x4a: {  	s17 =	sand.u32 $0x3, s16  }
0x4b: {  	s21 =	sadd.s32 $0x6, s17  }
0x4c: {  	_ =	swait.ge [sflag:s21], $0x2000  }
0x4d: {  	[sflag:s21] =	ssyncset.done $0x0  }
0x4e: {  	[sflag:s21] =	ssyncadd.s32 $0xFFFFE000  }
0x4f: {  	_ =	swait.ge [sflag:s21], $0x1200  }
0x50: {  	[sflag:s21] =	ssyncset.done $0x0  }
0x51: {  	[sflag:s21] =	ssyncadd.s32 $0xFFFFEE00  }
0x52: {  	_ =	swait.ge [sflag:s21], $0x2000  }
0x53: {  	[sflag:s21] =	ssyncset.done $0x0  }
0x54: {  	[sflag:s21] =	ssyncadd.s32 $0xFFFFE000  }
0x55: {  	_ =	swait.ge [sflag:s21], $0x1200  }
0x56: {  	[sflag:s21] =	ssyncset.done $0x0  }
0x57: {  	[sflag:s21] =	ssyncadd.s32 $0xFFFFEE00  }
0x58: {  	s18 =	sand.u32 $0x3, s15;
	_ =	swait.ge [sflag:s21], $0x2000  }
0x59: {  	s26 =	sadd.s32 $0xFFFFFFFC, s16;
	s19 =	sand.u32 $0x1, s16;
	[sflag:s21] =	ssyncset.done $0x0  }
0x5a: {  	p0 =	slt.u32 s16, $0x8;
	s22 =	smul.u32 $0xC800, s18;
	[sflag:s21] =	ssyncadd.s32 $0xFFFFE000  }
0x5b: {  	s18 =	sshrl.u32 s26, $0x1;
	p1 =	sne.s32 @!p0 s19, $0x0;
	_ =	swait.ge [sflag:s21], $0x1200  }
0x5c: {  	s20 =	sand.u32 $0x1, s18;
	p0 =	por p1, p0;
	[sflag:s21] =	ssyncset.done $0x0  }
0x5d: {  	s23 =	simm.s32 $0x0;
	[sflag:s21] =	ssyncadd.s32 $0xFFFFEE00;
	s21 =	sor.u32 @!p0 $0xA, s20  }
0x5e: {  	v4 =	vmov s23;
	_ =	swait.ge @!p0 [sflag:s21], $0x6400  }
0x5f: {  	s28 =	sshll.u32 s19, $0x2;
	v5 =	vshll.u32 v4, $0x3;
	s22 =	sshrl.u32 s22, $0x2;
	[sflag:s21] =	ssyncset.done @!p0 $0x0  }
0x60: {  	v4 =	vmov s28;
	v8 =	vor.u32 v0, v5;
	s22 =	sadd.s32 $0x7D00, s22;
	[sflag:s21] =	ssyncadd.s32 @!p0 $0xFFFF9C00  }
0x61: {  	v7 =	vor.u32 v4, v8;
	v6 =	vld [tilespmem:s22+$0xFFFFE700]  }
0x62: {  	s29 =	smul.u32 $0x19000, s20;
	_ =	sdelay $0x1  }
0x63: {  	s21 =	sshrl.u32 s29, $0x2  }
0x64: {  	s21 =	sadd.s32 $0x12C00, s21  }
0x65: {  	v9 =	vor.u32 v3, v5;
	[tilespmem:v7+s21+$0x0] =	vst.idx.msk $0xffff, v6  }
0x66: {  	v7 =	vor.u32 v4, v9;
	v6 =	vld [tilespmem:s22+$0xFFFFE710];
	_ =	sdelay $0x4  }
0x67: {  	v10 =	vor.u32 v2, v5;
	[tilespmem:v7+s21+$0x0] =	vst.idx.msk $0xffff, v6  }
0x68: {  	v7 =	vor.u32 v4, v10;
	v6 =	vld [tilespmem:s22+$0xFFFFE720];
	_ =	sdelay $0x4  }
0x69: {  	v11 =	vor.u32 v1, v5;
	[tilespmem:v7+s21+$0x0] =	vst.idx.msk $0xffff, v6  }
0x6a: {  	v7 =	vor.u32 v4, v11;
	v6 =	vld [tilespmem:s22+$0xFFFFE730];
	_ =	sdelay $0x3  }
0x6b: {  	s24 =	sor.u32 $0x1, s28  }
0x6c: {  	v5 =	vmov s24;
	[tilespmem:v7+s21+$0x0] =	vst.idx.msk $0xffff, v6  }
0x6d: {  	v7 =	vor.u32 v5, v8;
	v6 =	vld [tilespmem:s22+$0xFFFFF380];
	_ =	sdelay $0x4  }
0x6e: {  	[tilespmem:v7+s21+$0x0] =	vst.idx.msk $0xffff, v6  }
0x6f: {  	v7 =	vor.u32 v5, v9;
	v6 =	vld [tilespmem:s22+$0xFFFFF390];
	_ =	sdelay $0x4  }
0x70: {  	[tilespmem:v7+s21+$0x0] =	vst.idx.msk $0xffff, v6  }
0x71: {  	v7 =	vor.u32 v5, v10;
	v6 =	vld [tilespmem:s22+$0xFFFFF3A0];
	_ =	sdelay $0x4  }
0x72: {  	[tilespmem:v7+s21+$0x0] =	vst.idx.msk $0xffff, v6  }
0x73: {  	v12 =	vor.u32 v5, v11;
	v7 =	vld [tilespmem:s22+$0xFFFFF3B0];
	_ =	sdelay $0x3  }
0x74: {  	s30 =	sor.u32 $0x2, s28  }
0x75: {  	v6 =	vmov s30;
	[tilespmem:v12+s21+$0x0] =	vst.idx.msk $0xffff, v7  }
0x76: {  	v61 =	vor.u32 v6, v8;
	v7 =	vld [tilespmem:s22+$0x0];
	_ =	sdelay $0x4  }
0x77: {  	[tilespmem:v61+s21+$0x0] =	vst.idx.msk $0xffff, v7  }
0x78: {  	v62 =	vor.u32 v6, v9;
	v7 =	vld [tilespmem:s22+$0x10];
	_ =	sdelay $0x4  }
0x79: {  	[tilespmem:v62+s21+$0x0] =	vst.idx.msk $0xffff, v7  }
0x7a: {  	v63 =	vor.u32 v6, v10;
	v7 =	vld [tilespmem:s22+$0x20];
	_ =	sdelay $0x4  }
0x7b: {  	[tilespmem:v63+s21+$0x0] =	vst.idx.msk $0xffff, v7  }
0x7c: {  	v13 =	vor.u32 v6, v11;
	v12 =	vld [tilespmem:s22+$0x30];
	_ =	sdelay $0x3  }
0x7d: {  	s23 =	sor.u32 $0x3, s28  }
0x7e: {  	v7 =	vmov s23;
	[tilespmem:v13+s21+$0x0] =	vst.idx.msk $0xffff, v12  }
0x7f: {  	v8 =	vor.u32 v7, v8;
	v12 =	vld [tilespmem:s22+$0xC80];
	_ =	sdelay $0x4  }
0x80: {  	[tilespmem:v8+s21+$0x0] =	vst.idx.msk $0xffff, v12  }
0x81: {  	v9 =	vor.u32 v7, v9;
	v8 =	vld [tilespmem:s22+$0xC90];
	_ =	sdelay $0x4  }
0x82: {  	[tilespmem:v9+s21+$0x0] =	vst.idx.msk $0xffff, v8  }
0x83: {  	v9 =	vor.u32 v7, v10;
	v8 =	vld [tilespmem:s22+$0xCA0];
	_ =	sdelay $0x4  }
0x84: {  	[tilespmem:v9+s21+$0x0] =	vst.idx.msk $0xffff, v8  }
0x85: {  	v9 =	vor.u32 v7, v11;
	v8 =	vld [tilespmem:s22+$0xCB0];
	_ =	sdelay $0x1  }
0x86: {  	s31 =	simm.s32 $0x40  }
0x87: {  	s23 =	simm.s32 $0x80;
	v10 =	vmov s31  }
.LBB2_6:
0x88: {  	p0 =	sne.s32 s23, $0xC40;
	v10 =	vshll.u32 v10, $0x3  }
0x89: {  	s22 =	sadd.s32 $0x40, s22;
	v11 =	vor.u32 v0, v10;
	[tilespmem:v9+s21+$0x0] =	vst.idx.msk $0xffff, v8  }
0x8a: {  	v8 =	vld [tilespmem:s22+$0xFFFFE700];
	v9 =	vor.u32 v4, v11;
	_ =	sdelay $0x4  }
0x8b: {  	[tilespmem:v9+s21+$0x0] =	vst.idx.msk $0xffff, v8;
	v8 =	vor.u32 v3, v10  }
0x8c: {  	v9 =	vld [tilespmem:s22+$0xFFFFE710];
	v12 =	vor.u32 v4, v8;
	_ =	sdelay $0x4  }
0x8d: {  	[tilespmem:v12+s21+$0x0] =	vst.idx.msk $0xffff, v9;
	v9 =	vor.u32 v2, v10  }
0x8e: {  	v12 =	vld [tilespmem:s22+$0xFFFFE720];
	v13 =	vor.u32 v4, v9;
	_ =	sdelay $0x4  }
0x8f: {  	v10 =	vor.u32 v1, v10;
	[tilespmem:v13+s21+$0x0] =	vst.idx.msk $0xffff, v12  }
0x90: {  	v13 =	vor.u32 v4, v10;
	v12 =	vld [tilespmem:s22+$0xFFFFE730];
	_ =	sdelay $0x4  }
0x91: {  	[tilespmem:v13+s21+$0x0] =	vst.idx.msk $0xffff, v12  }
0x92: {  	v13 =	vor.u32 v5, v11;
	v12 =	vld [tilespmem:s22+$0xFFFFF380];
	_ =	sdelay $0x4  }
0x93: {  	[tilespmem:v13+s21+$0x0] =	vst.idx.msk $0xffff, v12  }
0x94: {  	v13 =	vor.u32 v5, v8;
	v12 =	vld [tilespmem:s22+$0xFFFFF390];
	_ =	sdelay $0x4  }
0x95: {  	[tilespmem:v13+s21+$0x0] =	vst.idx.msk $0xffff, v12  }
0x96: {  	v13 =	vor.u32 v5, v9;
	v12 =	vld [tilespmem:s22+$0xFFFFF3A0];
	_ =	sdelay $0x4  }
0x97: {  	[tilespmem:v13+s21+$0x0] =	vst.idx.msk $0xffff, v12  }
0x98: {  	v13 =	vor.u32 v5, v10;
	v12 =	vld [tilespmem:s22+$0xFFFFF3B0];
	_ =	sdelay $0x4  }
0x99: {  	[tilespmem:v13+s21+$0x0] =	vst.idx.msk $0xffff, v12  }
0x9a: {  	v13 =	vor.u32 v6, v11;
	v12 =	vld [tilespmem:s22+$0x0];
	_ =	sdelay $0x4  }
0x9b: {  	[tilespmem:v13+s21+$0x0] =	vst.idx.msk $0xffff, v12  }
0x9c: {  	v13 =	vor.u32 v6, v8;
	v12 =	vld [tilespmem:s22+$0x10];
	_ =	sdelay $0x4  }
0x9d: {  	[tilespmem:v13+s21+$0x0] =	vst.idx.msk $0xffff, v12  }
0x9e: {  	v13 =	vor.u32 v6, v9;
	v12 =	vld [tilespmem:s22+$0x20];
	_ =	sdelay $0x4  }
0x9f: {  	[tilespmem:v13+s21+$0x0] =	vst.idx.msk $0xffff, v12  }
0xa0: {  	v13 =	vor.u32 v6, v10;
	v12 =	vld [tilespmem:s22+$0x30];
	_ =	sdelay $0x4  }
0xa1: {  	[tilespmem:v13+s21+$0x0] =	vst.idx.msk $0xffff, v12  }
0xa2: {  	v11 =	vor.u32 v7, v11;
	v12 =	vld [tilespmem:s22+$0xC80];
	_ =	sdelay $0x4  }
0xa3: {  	[tilespmem:v11+s21+$0x0] =	vst.idx.msk $0xffff, v12  }
0xa4: {  	v8 =	vor.u32 v7, v8;
	v11 =	vld [tilespmem:s22+$0xC90];
	_ =	sdelay $0x4  }
0xa5: {  	[tilespmem:v8+s21+$0x0] =	vst.idx.msk $0xffff, v11  }
0xa6: {  	v9 =	vor.u32 v7, v9;
	v8 =	vld [tilespmem:s22+$0xCA0];
	_ =	sdelay $0x4  }
.Ltmp6:
0xa7: {  	[tilespmem:v9+s21+$0x0] =	vst.idx.msk $0xffff, v8;
	(pc) =	sbr.rel @p0 .LBB2_6-.Ltmp6, $2  }
0xa8: {  	v9 =	vor.u32 v7, v10;
	v8 =	vld [tilespmem:s22+$0xCB0];
	_ =	sdelay $0x2  }
0xa9: {  	v10 =	vmov s23;
	s23 =	sadd.s32 $0x40, s23  }
0xaa: {  	_ =	sdelay $0x2  }
0xab: {  	v10 =	vshll.u32 v10, $0x3  }
0xac: {  	s22 =	sadd.s32 $0x40, s22;
	v11 =	vor.u32 v0, v10;
	[tilespmem:v9+s21+$0x0] =	vst.idx.msk $0xffff, v8  }
0xad: {  	v8 =	vld [tilespmem:s22+$0xFFFFE700];
	v58 =	vor.u32 v4, v11;
	_ =	sdelay $0x4  }
0xae: {  	v59 =	vor.u32 v3, v10;
	[tilespmem:v58+s21+$0x0] =	vst.idx.msk $0xffff, v8  }
0xaf: {  	v12 =	vor.u32 v4, v59;
	v9 =	vld [tilespmem:s22+$0xFFFFE710];
	_ =	sdelay $0x4  }
0xb0: {  	v60 =	vor.u32 v2, v10;
	[tilespmem:v12+s21+$0x0] =	vst.idx.msk $0xffff, v9  }
0xb1: {  	v13 =	vor.u32 v4, v60;
	v12 =	vld [tilespmem:s22+$0xFFFFE720];
	_ =	sdelay $0x4  }
0xb2: {  	v10 =	vor.u32 v1, v10;
	[tilespmem:v13+s21+$0x0] =	vst.idx.msk $0xffff, v12  }
0xb3: {  	v4 =	vor.u32 v4, v10;
	v12 =	vld [tilespmem:s22+$0xFFFFE730];
	_ =	sdelay $0x4  }
0xb4: {  	[tilespmem:v4+s21+$0x0] =	vst.idx.msk $0xffff, v12  }
0xb5: {  	v61 =	vor.u32 v5, v11;
	v4 =	vld [tilespmem:s22+$0xFFFFF380];
	_ =	sdelay $0x4  }
0xb6: {  	[tilespmem:v61+s21+$0x0] =	vst.idx.msk $0xffff, v4  }
0xb7: {  	v62 =	vor.u32 v5, v59;
	v4 =	vld [tilespmem:s22+$0xFFFFF390];
	_ =	sdelay $0x4  }
0xb8: {  	[tilespmem:v62+s21+$0x0] =	vst.idx.msk $0xffff, v4  }
0xb9: {  	v63 =	vor.u32 v5, v60;
	v4 =	vld [tilespmem:s22+$0xFFFFF3A0];
	_ =	sdelay $0x4  }
0xba: {  	[tilespmem:v63+s21+$0x0] =	vst.idx.msk $0xffff, v4  }
0xbb: {  	v5 =	vor.u32 v5, v10;
	v4 =	vld [tilespmem:s22+$0xFFFFF3B0];
	_ =	sdelay $0x4  }
0xbc: {  	[tilespmem:v5+s21+$0x0] =	vst.idx.msk $0xffff, v4  }
0xbd: {  	v5 =	vor.u32 v6, v11;
	v4 =	vld [tilespmem:s22+$0x0];
	_ =	sdelay $0x4  }
0xbe: {  	[tilespmem:v5+s21+$0x0] =	vst.idx.msk $0xffff, v4  }
0xbf: {  	v5 =	vor.u32 v6, v59;
	v4 =	vld [tilespmem:s22+$0x10];
	_ =	sdelay $0x4  }
0xc0: {  	[tilespmem:v5+s21+$0x0] =	vst.idx.msk $0xffff, v4  }
0xc1: {  	v5 =	vor.u32 v6, v60;
	v4 =	vld [tilespmem:s22+$0x20];
	_ =	sdelay $0x4  }
0xc2: {  	[tilespmem:v5+s21+$0x0] =	vst.idx.msk $0xffff, v4  }
0xc3: {  	v5 =	vor.u32 v6, v10;
	v4 =	vld [tilespmem:s22+$0x30];
	_ =	sdelay $0x4  }
0xc4: {  	[tilespmem:v5+s21+$0x0] =	vst.idx.msk $0xffff, v4  }
0xc5: {  	v5 =	vor.u32 v7, v11;
	v4 =	vld [tilespmem:s22+$0xC80];
	_ =	sdelay $0x4  }
0xc6: {  	[tilespmem:v5+s21+$0x0] =	vst.idx.msk $0xffff, v4  }
0xc7: {  	v5 =	vor.u32 v7, v59;
	v4 =	vld [tilespmem:s22+$0xC90];
	_ =	sdelay $0x4  }
0xc8: {  	[tilespmem:v5+s21+$0x0] =	vst.idx.msk $0xffff, v4  }
0xc9: {  	v5 =	vor.u32 v7, v60;
	v4 =	vld [tilespmem:s22+$0xCA0];
	_ =	sdelay $0x4  }
0xca: {  	[tilespmem:v5+s21+$0x0] =	vst.idx.msk $0xffff, v4  }
0xcb: {  	v5 =	vor.u32 v7, v10;
	v4 =	vld [tilespmem:s22+$0xCB0];
	_ =	sdelay $0x2  }
0xcc: {  	p0 =	seq.s32 s19, $0x0  }
0xcd: {  	s19 =	sor.u32 @!p0 $0xA, s20  }
0xce: {  	s18 =	sadd.s32 @!p0 s18, s5;
	s20 =	simm.s32 @!p0 $0x8;
	s22 =	simm.s32 @!p0 $0x1000;
	[tilespmem:v5+s21+$0x0] =	vst.idx.msk $0xffff, v4  }
0xcf: {  	[hbm4b:s18+s20] =	stream.strided.scatter @!p0 [tilespmem:s21], [sflag:s19], $0x6400, s22, s20, $0x38;
	[tilespmem:$0x1F400] =	vst v63  }
0xd0: {  	p0 =	sgt.u32 s16, $0x1F  }
.Ltmp7:
0xd1: {  	_ = 	snop;
	(pc) =	sbr.rel @p0 .LBB2_9-.Ltmp7, $4  }
.Ltmp8:
0xd2: {  	_ = 	snop;
	(pc) =	sbr.rel @!p0 .LBB2_8-.Ltmp8, $4  }
0xd3: {  	_ = 	snop  }
0xd4: {  	_ = 	snop  }
0xd5: {  	_ = 	snop  }
0xd6: {  	_ = 	snop  }
.LBB2_11:
0xd7: {  	_ =	sfence.sel $0x180000  }
0xd8: {  	[bflag:$0x0] =	sbarrier.arrive $0xFFFF  }
0xd9: {  	p0 =	sne.s32 s1, $0x0;
	_ =	strace $0x90000047  }
0xda: {  	s0 =	sadd.s32 @!p0 $0x100000, s0;
	[bflag:$0x2] =	sbarrier.arrive $0xFFFF  }
0xdb: {  	[sflag:s0] =	ssyncadd.tile.s32 @!p0 $0x1;
	_ =	shalt  }
.Lfunc_end2:
_tile_overlayer_lowered:
.L_overlay_start_2:
0xdc: {  	(tag) =	ssettag $0x2  }
0xdd: {  	s0 =	rddreg [dreg:$0x0];
	s2 =	stileid.u32  }
0xde: {  	s1 =	rddreg [dreg:$0x1];
	p0 =	sne.s32 s2, $0x0  }
0xdf: {  	s3 =	rddreg [dreg:$0x2];
	[bflag:$0x3] =	sbarrier.arrive $0xFFFF;
	s2 =	simm.s32 @!p0 $0x1C0C  }
0xe0: {  	[timem:s3], [sflag:s2] =	dma.local @!p0 [hbm:s0], s1  }
0xe1: {  	s0 =	simm.s32 @!p0 $0xC  }
0xe2: {  	_ =	swait.ge @!p0 [sflag:s0], s1  }
0xe3: {  	s1 =	ssub.s32 @!p0 $0x0, s1;
	[sflag:s0] =	ssyncset.done @!p0 $0x0  }
0xe4: {  	[sflag:s0] =	ssyncadd.s32 @!p0 s1  }
0xe5: {  	[bflag:$0x3] =	sbarrier.arrive $0xFFFF  }
0xe6: {  	_ =	shalt  }

</sc_bundles>
